<compile_context>
chip_gen: v7x
topology: tpu7x:2x2x1
jax: 0.10.2.dev20260603
libtpu: 0.0.44.dev20260713+nightly
codegen_flags: <defaults>
</compile_context>

<pallas_src>
import functools
import math

import jax
import jax.numpy as jnp
from jax import lax
from jax.experimental import pallas as pl
from jax.experimental.pallas import tpu as pltpu
from jax.experimental.pallas import tpu_sc as plsc

T, D, H, E = 2048, 768, 3072, 64
CAP = 80
SLAB = 2 * CAP
NROWS = E * SLAB
DUMP = NROWS
NPAD = NROWS + 8
HHALF = H // 2
D2 = D // 2
NW = 32
PERW = 2 * T // NW
F32 = jnp.float32
BF16 = jnp.bfloat16
I32 = jnp.int32


U32 = jnp.uint32


def _pack_bf16(a):
    h = a.shape[-1] // 2
    af = a.astype(BF16).astype(F32)
    lo = lax.bitcast_convert_type(af[..., :h], U32)
    hi = lax.bitcast_convert_type(af[..., h:], U32)
    u = jnp.right_shift(lo, 16) | jnp.left_shift(jnp.right_shift(hi, 16), 16)
    return lax.bitcast_convert_type(u, F32)


def _unpack_bf16(a):
    u = lax.bitcast_convert_type(a, U32)
    lo = lax.bitcast_convert_type(jnp.left_shift(u, 16), F32)
    hi = lax.bitcast_convert_type(jnp.left_shift(jnp.right_shift(u, 16), 16), F32)
    return jnp.concatenate([lo, hi], axis=-1).astype(BF16)


def _router_body(x_ref, wr_ref, aux_ref, w_ref, g_ref, xb_ref, drop_ref):
    xx = x_ref[...]
    wr = wr_ref[...]
    xb16 = xx.astype(BF16)
    xb_ref[...] = _pack_bf16(xx)
    logits = lax.dot_general(xb16, wr.astype(BF16),
                             (((1,), (1,)), ((), ())),
                             preferred_element_type=F32)
    mx = jnp.max(logits, axis=1, keepdims=True)
    pexp = jnp.exp(logits - mx)
    probs = pexp / jnp.sum(pexp, axis=1, keepdims=True)
    imp = jnp.sum(probs, axis=0, keepdims=True) * (1.0 / T)

    ie = lax.broadcasted_iota(I32, (1, E), 1)
    v1 = jnp.max(probs, axis=1, keepdims=True)
    i1 = jnp.min(jnp.where(probs == v1, ie, E), axis=1, keepdims=True)
    probs2 = jnp.where(ie == i1, -1.0, probs)
    v2 = jnp.max(probs2, axis=1, keepdims=True)
    i2 = jnp.min(jnp.where(probs2 == v2, ie, E), axis=1, keepdims=True)
    ssum = v1 + v2 + 1e-8
    w0 = v1 / ssum
    w1 = v2 / ssum

    iecast = lax.broadcasted_iota(I32, (T, E), 1)
    oh1 = (i1 == iecast)
    oh2 = (i2 == iecast)
    cnt_full = jnp.sum(oh1.astype(F32), axis=0, keepdims=True)
    cnt_full2 = jnp.sum(oh2.astype(F32), axis=0, keepdims=True)
    need_rank = jnp.maximum(jnp.max(cnt_full), jnp.max(cnt_full2)) > CAP

    drop_ref[...] = jnp.zeros((T, 1), F32)

    @pl.when(need_rank)
    def compute_drop():
        w0b = lax.bitcast_convert_type(w0, I32)
        w1b = lax.bitcast_convert_type(w1, I32)
        planes = [i1.astype(F32), i2.astype(F32)]
        for src in (w0b, w1b):
            for k in range(4):
                planes.append(
                    (lax.shift_right_logical(src, 8 * k) & 0xFF).astype(F32))
        pmat = jnp.concatenate(planes, axis=1).astype(BF16)
        rows = []
        for c in range(4):
            r = lax.broadcasted_iota(I32, (T, 512), 0)
            col = lax.broadcasted_iota(I32, (T, 512), 1)
            oh = (r == c * 512 + col).astype(BF16)
            rows.append(lax.dot_general(pmat, oh, (((0,), (0,)), ((), ())),
                                        preferred_element_type=F32))
        prow = jnp.concatenate(rows, axis=1)
        i1row = prow[0:1].astype(I32)
        i2row = prow[1:2].astype(I32)

        def unbytes(off):
            acc = prow[off:off + 1].astype(I32)
            for k in range(1, 4):
                acc = acc | lax.shift_left(prow[off + k:off + k + 1].astype(I32), 8 * k)
            return lax.bitcast_convert_type(acc, F32)

        w0row = unbytes(2)
        w1row = unbytes(6)
        tcol = lax.broadcasted_iota(I32, (T, 1), 0)

        def rank_of(icol, wcol, irow, wrow):
            cnt = jnp.zeros((T, 1), F32)
            for c in range(4):
                sl = slice(c * 512, (c + 1) * 512)
                ir = irow[:, sl]
                wr_ = wrow[:, sl]
                tp = lax.broadcasted_iota(I32, (T, 512), 1) + c * 512
                same = ir == icol
                gt = (wr_ > wcol) | ((wr_ == wcol) & (tp < tcol))
                cnt = cnt + jnp.sum((same & gt).astype(F32), axis=1,
                                    keepdims=True)
            return cnt

        r0 = rank_of(i1, w0, i1row, w0row)
        r1 = rank_of(i2, w1, i2row, w1row)
        drop_ref[...] = ((r0 >= CAP) | (r1 >= CAP)).astype(F32)

    drop = drop_ref[...] > 0.0
    w0f = jnp.where(drop, 0.0, w0)
    w1f = jnp.where(drop, 0.0, w1)
    rs = jnp.maximum(w0f + w1f, 1e-8)
    w0f = w0f / rs
    w1f = w1f / rs

    keep = jnp.logical_not(drop)
    m0 = (oh1 & keep).astype(BF16)
    m1 = (oh2 & keep).astype(BF16)

    mcat = jnp.concatenate([m0, m1], axis=1)
    pos_chunks = []
    for c in range(8):
        rsub = lax.broadcasted_iota(I32, (256, T), 0) + c * 256
        tlane = lax.broadcasted_iota(I32, (256, T), 1)
        tri = (tlane < rsub).astype(BF16)
        pos_chunks.append(lax.dot_general(tri, mcat, (((1,), (0,)), ((), ())),
                                          preferred_element_type=F32))
    pos = jnp.concatenate(pos_chunks, axis=0)
    pos0, pos1 = pos[:, :E], pos[:, E:]
    m0f = m0.astype(F32)
    m1f = m1.astype(F32)
    c0 = jnp.sum(m0f, axis=0, keepdims=True)
    pos0t = jnp.sum(m0f * pos0, axis=1, keepdims=True)
    pos1t = jnp.sum(m1f * (pos1 + c0), axis=1, keepdims=True)
    g0 = jnp.where(keep, i1 * SLAB + pos0t.astype(I32), DUMP)
    g1 = jnp.where(keep, i2 * SLAB + pos1t.astype(I32), DUMP)

    load = jnp.sum(m0f * w0f + m1f * w1f, axis=0, keepdims=True) * (1.0 / T)
    aux_ref[...] = jnp.sum(imp * load * float(E), axis=1, keepdims=True)
    w_ref[...] = jnp.concatenate([w0f, w1f], axis=1)
    g_ref[...] = jnp.concatenate([g0, g1], axis=1)


def _k1(x2d, wr, interpret=False):
    return pl.pallas_call(
        _router_body,
        out_shape=(
            jax.ShapeDtypeStruct((1, 1), F32),
            jax.ShapeDtypeStruct((T, 2), F32),
            jax.ShapeDtypeStruct((T, 2), I32),
            jax.ShapeDtypeStruct((T, D2), F32),
        ),
        scratch_shapes=[pltpu.VMEM((T, 1), F32)],
        interpret=interpret,
    )(x2d, wr)


def _ffn_body(disp_ref, w1_ref, b1_ref, w2_ref, b2_ref, y_ref, acc_ref):
    j = pl.program_id(1)
    g = _unpack_bf16(disp_ref[...])
    h = lax.dot_general(g, w1_ref[0].astype(BF16), (((1,), (0,)), ((), ())),
                        preferred_element_type=F32)
    h = h + b1_ref[0]
    h = h * 0.5 * (1.0 + lax.erf(h * (1.0 / math.sqrt(2.0))))
    y = lax.dot_general(h.astype(BF16), w2_ref[0].astype(BF16),
                        (((1,), (0,)), ((), ())), preferred_element_type=F32)

    @pl.when(j == 0)
    def _():
        acc_ref[...] = y

    @pl.when(j == 1)
    def _():
        y_ref[...] = _pack_bf16(acc_ref[...] + y + b2_ref[0])


def _k2(disp, w1, b1r, w2, b2r, interpret=False):
    return pl.pallas_call(
        _ffn_body,
        grid=(E, 2),
        in_specs=[
            pl.BlockSpec((SLAB, D2), lambda e, j: (e, 0)),
            pl.BlockSpec((1, D, HHALF), lambda e, j: (e, 0, j)),
            pl.BlockSpec((1, 1, HHALF), lambda e, j: (e, 0, j)),
            pl.BlockSpec((1, HHALF, D), lambda e, j: (e, j, 0)),
            pl.BlockSpec((1, 1, D), lambda e, j: (e, 0, 0)),
        ],
        out_specs=pl.BlockSpec((SLAB, D2), lambda e, j: (e, 0)),
        out_shape=jax.ShapeDtypeStruct((NPAD, D2), F32),
        scratch_shapes=[pltpu.VMEM((SLAB, D), F32)],
        interpret=interpret,
    )(disp, w1, b1r, w2, b2r)


def _combine_body(g0_ref, g1_ref, w_ref, o_ref):
    w0 = w_ref[:, 0:1]
    w1 = w_ref[:, 1:2]
    a = jnp.where(w0 > 0, w0 * _unpack_bf16(g0_ref[...]).astype(F32), 0.0)
    b = jnp.where(w1 > 0, w1 * _unpack_bf16(g1_ref[...]).astype(F32), 0.0)
    o_ref[...] = a + b


def _k3(gath, wcat, interpret=False):
    nblk = 8
    tb = T // nblk
    return pl.pallas_call(
        _combine_body,
        grid=(nblk,),
        in_specs=[
            pl.BlockSpec((tb, D2), lambda i: (i, 0)),
            pl.BlockSpec((tb, D2), lambda i: (nblk + i, 0)),
            pl.BlockSpec((tb, 2), lambda i: (i, 0)),
        ],
        out_specs=pl.BlockSpec((tb, D), lambda i: (i, 0)),
        out_shape=jax.ShapeDtypeStruct((T, D), F32),
        interpret=interpret,
    )(gath, gath, wcat)


def _s1(xb, gidx32):
    mesh = plsc.VectorSubcoreMesh(core_axis_name="c", subcore_axis_name="s")

    @functools.partial(
        pl.kernel, mesh=mesh,
        out_type=jax.ShapeDtypeStruct((NPAD, D2), F32),
        scratch_types=[
            pltpu.VMEM((PERW,), I32),
            pltpu.VMEM((PERW, D2), F32),
        ],
    )
    def body(x_hbm, g_hbm, disp_hbm, idx_v, rows_v):
        wid = lax.axis_index("s") * 2 + lax.axis_index("c")
        tok = lax.rem(wid * PERW, T)
        pltpu.sync_copy(x_hbm.at[pl.ds(tok, PERW)], rows_v)
        pltpu.sync_copy(g_hbm.at[wid], idx_v)
        pltpu.sync_copy(rows_v, disp_hbm.at[idx_v])

    return body(xb, gidx32)


def _s2(y, gidx32):
    mesh = plsc.VectorSubcoreMesh(core_axis_name="c", subcore_axis_name="s")

    @functools.partial(
        pl.kernel, mesh=mesh,
        out_type=jax.ShapeDtypeStruct((2 * T, D2), F32),
        scratch_types=[
            pltpu.VMEM((PERW,), I32),
            pltpu.VMEM((PERW, D2), F32),
        ],
    )
    def body(y_hbm, g_hbm, gath_hbm, idx_v, rows_v):
        wid = lax.axis_index("s") * 2 + lax.axis_index("c")
        pltpu.sync_copy(g_hbm.at[wid], idx_v)
        pltpu.sync_copy(y_hbm.at[idx_v], rows_v)
        pltpu.sync_copy(rows_v, gath_hbm.at[pl.ds(wid * PERW, PERW)])

    return body(y, gidx32)


def kernel(x, Wr, W1, b1, W2, b2):
    x2d = x.reshape(T, D)
    aux11, wcat, gcat, xb = _k1(x2d, Wr)
    gidx32 = jnp.concatenate([gcat[:, 0], gcat[:, 1]], axis=0).reshape(NW, PERW)
    disp = _s1(xb, gidx32)
    y = _k2(disp, W1, b1.reshape(E, 1, H), W2, b2.reshape(E, 1, D))
    gath = _s2(y, gidx32)
    out = _k3(gath, wcat)
    return out.reshape(1, T, D), aux11.reshape(())

# --- scband reference (transcript-rebuilt; emitter-appended) ---
"""Pipeline reference for scband-mo-effn-67199058313909 (READ-ONLY COPY).

The authoritative reference and input builder live on the scoring server;
editing this copy changes nothing except your own understanding.
"""

import jax, jax.numpy as jnp
import numpy as np

DIM = 768
HID = 3072  # int(768 * 4.0)
NUM_EXPERTS = 64
TOP_K = 2
CAP_F = 1.25
B, N = 1, 2048


def setup_inputs(seed: int = 0) -> dict:
    key = jax.random.key(seed)
    ks = jax.random.split(key, 6)
    x = jax.random.normal(ks[0], (B, N, DIM), dtype=jnp.float32)
    Wr = jax.random.normal(ks[1], (NUM_EXPERTS, DIM), dtype=jnp.float32) * 0.02
    W1 = jax.random.normal(ks[2], (NUM_EXPERTS, DIM, HID), dtype=jnp.float32) * 0.02
    b1 = jnp.zeros((NUM_EXPERTS, HID), dtype=jnp.float32)
    W2 = jax.random.normal(ks[3], (NUM_EXPERTS, HID, DIM), dtype=jnp.float32) * 0.02
    b2 = jnp.zeros((NUM_EXPERTS, DIM), dtype=jnp.float32)
    return {"x": x, "Wr": Wr, "W1": W1, "b1": b1, "W2": W2, "b2": b2}


def _moe_forward(x, Wr, W1, b1, W2, b2):
    b, n, d = x.shape
    T = b * n
    flat = x.reshape(T, d)
    # router (no bias); torch Linear weight is [out, in]
    logits = flat @ Wr.T
    probs = jax.nn.softmax(logits.astype(jnp.float32), axis=-1).astype(flat.dtype)
    top_w, top_idx = jax.lax.top_k(probs, TOP_K)
    top_w = top_w / (top_w.sum(axis=-1, keepdims=True) + 1e-08)
    # capacity dropping (sequential over experts then slots, matching torch loop order)
    cap = max(1, int(CAP_F * (T * TOP_K) / NUM_EXPERTS))
    neg_inf = jnp.array(-jnp.inf, dtype=top_w.dtype)
    ar = jnp.arange(T, dtype=jnp.int32)
    for e in range(NUM_EXPERTS):
        for s in range(TOP_K):
            m = top_idx[:, s] == e
            pw = jnp.where(m, top_w[:, s], neg_inf)
            order = jnp.argsort(-pw)  # masked tokens first, weight-descending
            ranks = jnp.zeros((T,), dtype=jnp.int32).at[order].set(ar)
            drop = m & (ranks >= cap)
            # torch does top_w[m_drop] = 0.0 -> zeroes the WHOLE row (all slots)
            top_w = jnp.where(drop[:, None], jnp.zeros_like(top_w), top_w)
    rs = jnp.clip(top_w.sum(axis=-1, keepdims=True), 1e-08, None)
    top_w = top_w / rs
    # expert computation: static-shape gather of up to `cap` tokens per (expert, slot);
    # after capacity dropping at most `cap` tokens per (e, slot) carry nonzero weight,
    # extra gathered tokens get weight 0 so they contribute nothing.
    out = jnp.zeros_like(flat)
    for e in range(NUM_EXPERTS):
        for s in range(TOP_K):
            m = top_idx[:, s] == e
            w_slot = jnp.where(m, top_w[:, s], jnp.zeros_like(top_w[:, s]))
            pri = jnp.where(m, top_w[:, s], -jnp.ones_like(top_w[:, s]))
            sel = jnp.argsort(-pri)[:cap]
            g = flat[sel]
            h = jax.nn.gelu(g @ W1[e] + b1[e], approximate=False)
            y = h @ W2[e] + b2[e]
            out = out.at[sel].add(w_slot[sel][:, None] * y)
    # aux load-balancing loss
    load = jnp.zeros((NUM_EXPERTS,), dtype=probs.dtype)
    for s in range(TOP_K):
        load = load + jax.ops.segment_sum(top_w[:, s], top_idx[:, s], num_segments=NUM_EXPERTS)
    load = load / max(T, 1)
    importance = probs.mean(axis=0)
    aux = (importance * load * float(NUM_EXPERTS)).sum()
    return out.reshape(b, n, d), aux


def reference(x, Wr, W1, b1, W2, b2):
    return _moe_forward(x, Wr, W1, b1, W2, b2)

if __name__ == "__main__":
    import jax
    _d = setup_inputs()
    print(jax.jit(kernel)(*tuple(_d.values())))

</pallas_src>

<mosaic_0001>
#map = affine_map<(d0, d1) -> (0, 0)>
module attributes {stable_mosaic.version = 14 : i64} {
  func.func @body(%arg0: i32, %arg1: i32, %arg2: memref<2048x384xf32, #tpu.memory_space<hbm>>, %arg3: memref<32x128xi32, #tpu.memory_space<hbm>>, %arg4: memref<10248x384xf32, #tpu.memory_space<hbm>>, %arg5: memref<128xi32, #tpu.memory_space<vmem>>, %arg6: memref<128x384xf32, #tpu.memory_space<vmem>>) attributes {dimension_semantics = [#tpu.dimension_semantics<core_parallel>, #tpu.dimension_semantics<subcore_parallel>], iteration_bounds = array<i64: 2, 16>, scalar_prefetch = 0 : i64, scratch_operands = 2 : i64, tpu.core_type = #tpu.core_type<sc_vector_subcore>, window_params = [{transform_indices = #map}, {transform_indices = #map}, {transform_indices = #map}]} {
    %mul3A = arith.constant 2 : i32
    %mul3A_0 = arith.muli %arg1, %mul3A : i32
    %add3A = arith.addi %mul3A_0, %arg0 : i32
    %mul3A_1 = arith.constant 128 : i32
    %mul3A_2 = arith.muli %add3A, %mul3A_1 : i32
    %rem3A = arith.constant 2048 : i32
    %rem3A_3 = arith.remsi %mul3A_2, %rem3A : i32
    "tpu.region"() ({
      %run_scoped3A = tpu.sem_alloc : memref<!tpu.dma_semaphore, #tpu.memory_space<semaphore_mem>>
      %dma_start3A = arith.constant 0 : i32
      %dma_start3A_4 = tpu.memref_slice %arg2[%rem3A_3, %dma_start3A] : memref<2048x384xf32, #tpu.memory_space<hbm>> -> memref<128x384xf32, #tpu.memory_space<hbm>>
      %dma_start3A_5 = arith.constant 0 : i32
      %dma_start3A_6 = tpu.memref_slice %arg2[%rem3A_3, %dma_start3A_5] : memref<2048x384xf32, #tpu.memory_space<hbm>> -> memref<128x384xf32, #tpu.memory_space<hbm>>
      tpu.enqueue_dma source(%dma_start3A_6 : memref<128x384xf32, #tpu.memory_space<hbm>>) target(%arg6 : memref<128x384xf32, #tpu.memory_space<vmem>>) target_semaphore(%run_scoped3A : memref<!tpu.dma_semaphore, #tpu.memory_space<semaphore_mem>>)
      %dma_wait3A = arith.constant 0 : i32
      %dma_wait3A_7 = tpu.memref_slice %arg2[%rem3A_3, %dma_wait3A] : memref<2048x384xf32, #tpu.memory_space<hbm>> -> memref<128x384xf32, #tpu.memory_space<hbm>>
      %dma_wait3A_8 = arith.constant 0 : i32
      %dma_wait3A_9 = tpu.memref_slice %arg2[%rem3A_3, %dma_wait3A_8] : memref<2048x384xf32, #tpu.memory_space<hbm>> -> memref<128x384xf32, #tpu.memory_space<hbm>>
      tpu.wait_dma2 semaphore(%run_scoped3A : memref<!tpu.dma_semaphore, #tpu.memory_space<semaphore_mem>>) src(%dma_wait3A_9 : memref<128x384xf32, #tpu.memory_space<hbm>>) dst(%arg6 : memref<128x384xf32, #tpu.memory_space<vmem>>)
      tpu.yield
    }) : () -> ()
    "tpu.region"() ({
      %run_scoped3A = tpu.sem_alloc : memref<!tpu.dma_semaphore, #tpu.memory_space<semaphore_mem>>
      %dma_start3A = arith.constant 0 : i32
      %dma_start3A_4 = tpu.memref_slice %arg3[%add3A, %dma_start3A] : memref<32x128xi32, #tpu.memory_space<hbm>> -> memref<1x128xi32, #tpu.memory_space<hbm>>
      %dma_start3A_5 = tpu.memref_squeeze %dma_start3A_4 : memref<1x128xi32, #tpu.memory_space<hbm>> -> memref<128xi32, #tpu.memory_space<hbm>>
      %dma_start3A_6 = arith.constant 0 : i32
      %dma_start3A_7 = tpu.memref_slice %arg3[%add3A, %dma_start3A_6] : memref<32x128xi32, #tpu.memory_space<hbm>> -> memref<1x128xi32, #tpu.memory_space<hbm>>
      %dma_start3A_8 = tpu.memref_squeeze %dma_start3A_7 : memref<1x128xi32, #tpu.memory_space<hbm>> -> memref<128xi32, #tpu.memory_space<hbm>>
      tpu.enqueue_dma source(%dma_start3A_8 : memref<128xi32, #tpu.memory_space<hbm>>) target(%arg5 : memref<128xi32, #tpu.memory_space<vmem>>) target_semaphore(%run_scoped3A : memref<!tpu.dma_semaphore, #tpu.memory_space<semaphore_mem>>)
      %dma_wait3A = arith.constant 0 : i32
      %dma_wait3A_9 = tpu.memref_slice %arg3[%add3A, %dma_wait3A] : memref<32x128xi32, #tpu.memory_space<hbm>> -> memref<1x128xi32, #tpu.memory_space<hbm>>
      %dma_wait3A_10 = tpu.memref_squeeze %dma_wait3A_9 : memref<1x128xi32, #tpu.memory_space<hbm>> -> memref<128xi32, #tpu.memory_space<hbm>>
      %dma_wait3A_11 = arith.constant 0 : i32
      %dma_wait3A_12 = tpu.memref_slice %arg3[%add3A, %dma_wait3A_11] : memref<32x128xi32, #tpu.memory_space<hbm>> -> memref<1x128xi32, #tpu.memory_space<hbm>>
      %dma_wait3A_13 = tpu.memref_squeeze %dma_wait3A_12 : memref<1x128xi32, #tpu.memory_space<hbm>> -> memref<128xi32, #tpu.memory_space<hbm>>
      tpu.wait_dma2 semaphore(%run_scoped3A : memref<!tpu.dma_semaphore, #tpu.memory_space<semaphore_mem>>) src(%dma_wait3A_13 : memref<128xi32, #tpu.memory_space<hbm>>) dst(%arg5 : memref<128xi32, #tpu.memory_space<vmem>>)
      tpu.yield
    }) : () -> ()
    "tpu.region"() ({
      %run_scoped3A = tpu.sem_alloc : memref<!tpu.dma_semaphore, #tpu.memory_space<semaphore_mem>>
      %dma_start3A = arith.constant 0 : i32
      %dma_start3A_4 = arith.constant 0 : i32
      %dma_start3A_5 = tpu.memref_slice %arg4[%dma_start3A, %dma_start3A_4] : memref<10248x384xf32, #tpu.memory_space<hbm>> -> memref<10248x384xf32, #tpu.memory_space<hbm>>
      tpu.enqueue_indirect_dma source(%arg6 : memref<128x384xf32, #tpu.memory_space<vmem>>) target(%dma_start3A_5 : memref<10248x384xf32, #tpu.memory_space<hbm>>) offsets(%arg5 : memref<128xi32, #tpu.memory_space<vmem>>) semaphore(%run_scoped3A : memref<!tpu.dma_semaphore, #tpu.memory_space<semaphore_mem>>)
      %dma_wait3A = arith.constant 0 : i32
      %dma_wait3A_6 = arith.constant 0 : i32
      %dma_wait3A_7 = tpu.memref_slice %arg4[%dma_wait3A, %dma_wait3A_6] : memref<10248x384xf32, #tpu.memory_space<hbm>> -> memref<10248x384xf32, #tpu.memory_space<hbm>>
      tpu.wait_indirect_dma semaphore(%run_scoped3A : memref<!tpu.dma_semaphore, #tpu.memory_space<semaphore_mem>>) src(%arg6 : memref<128x384xf32, #tpu.memory_space<vmem>>) dst(%dma_wait3A_7 : memref<10248x384xf32, #tpu.memory_space<hbm>>)
      tpu.yield
    }) : () -> ()
    return
  }
}

#map = affine_map<(d0, d1) -> (0, 0)>
module attributes {stable_mosaic.version = 14 : i64} {
  func.func @body(%arg0: i32, %arg1: i32, %arg2: memref<10248x384xf32, #tpu.memory_space<hbm>>, %arg3: memref<32x128xi32, #tpu.memory_space<hbm>>, %arg4: memref<4096x384xf32, #tpu.memory_space<hbm>>, %arg5: memref<128xi32, #tpu.memory_space<vmem>>, %arg6: memref<128x384xf32, #tpu.memory_space<vmem>>) attributes {dimension_semantics = [#tpu.dimension_semantics<core_parallel>, #tpu.dimension_semantics<subcore_parallel>], iteration_bounds = array<i64: 2, 16>, scalar_prefetch = 0 : i64, scratch_operands = 2 : i64, tpu.core_type = #tpu.core_type<sc_vector_subcore>, window_params = [{transform_indices = #map}, {transform_indices = #map}, {transform_indices = #map}]} {
    %mul3A = arith.constant 2 : i32
    %mul3A_0 = arith.muli %arg1, %mul3A : i32
    %add3A = arith.addi %mul3A_0, %arg0 : i32
    "tpu.region"() ({
      %run_scoped3A = tpu.sem_alloc : memref<!tpu.dma_semaphore, #tpu.memory_space<semaphore_mem>>
      %dma_start3A = arith.constant 0 : i32
      %dma_start3A_3 = tpu.memref_slice %arg3[%add3A, %dma_start3A] : memref<32x128xi32, #tpu.memory_space<hbm>> -> memref<1x128xi32, #tpu.memory_space<hbm>>
      %dma_start3A_4 = tpu.memref_squeeze %dma_start3A_3 : memref<1x128xi32, #tpu.memory_space<hbm>> -> memref<128xi32, #tpu.memory_space<hbm>>
      %dma_start3A_5 = arith.constant 0 : i32
      %dma_start3A_6 = tpu.memref_slice %arg3[%add3A, %dma_start3A_5] : memref<32x128xi32, #tpu.memory_space<hbm>> -> memref<1x128xi32, #tpu.memory_space<hbm>>
      %dma_start3A_7 = tpu.memref_squeeze %dma_start3A_6 : memref<1x128xi32, #tpu.memory_space<hbm>> -> memref<128xi32, #tpu.memory_space<hbm>>
      tpu.enqueue_dma source(%dma_start3A_7 : memref<128xi32, #tpu.memory_space<hbm>>) target(%arg5 : memref<128xi32, #tpu.memory_space<vmem>>) target_semaphore(%run_scoped3A : memref<!tpu.dma_semaphore, #tpu.memory_space<semaphore_mem>>)
      %dma_wait3A = arith.constant 0 : i32
      %dma_wait3A_8 = tpu.memref_slice %arg3[%add3A, %dma_wait3A] : memref<32x128xi32, #tpu.memory_space<hbm>> -> memref<1x128xi32, #tpu.memory_space<hbm>>
      %dma_wait3A_9 = tpu.memref_squeeze %dma_wait3A_8 : memref<1x128xi32, #tpu.memory_space<hbm>> -> memref<128xi32, #tpu.memory_space<hbm>>
      %dma_wait3A_10 = arith.constant 0 : i32
      %dma_wait3A_11 = tpu.memref_slice %arg3[%add3A, %dma_wait3A_10] : memref<32x128xi32, #tpu.memory_space<hbm>> -> memref<1x128xi32, #tpu.memory_space<hbm>>
      %dma_wait3A_12 = tpu.memref_squeeze %dma_wait3A_11 : memref<1x128xi32, #tpu.memory_space<hbm>> -> memref<128xi32, #tpu.memory_space<hbm>>
      tpu.wait_dma2 semaphore(%run_scoped3A : memref<!tpu.dma_semaphore, #tpu.memory_space<semaphore_mem>>) src(%dma_wait3A_12 : memref<128xi32, #tpu.memory_space<hbm>>) dst(%arg5 : memref<128xi32, #tpu.memory_space<vmem>>)
      tpu.yield
    }) : () -> ()
    "tpu.region"() ({
      %run_scoped3A = tpu.sem_alloc : memref<!tpu.dma_semaphore, #tpu.memory_space<semaphore_mem>>
      %dma_start3A = arith.constant 0 : i32
      %dma_start3A_3 = arith.constant 0 : i32
      %dma_start3A_4 = tpu.memref_slice %arg2[%dma_start3A, %dma_start3A_3] : memref<10248x384xf32, #tpu.memory_space<hbm>> -> memref<10248x384xf32, #tpu.memory_space<hbm>>
      tpu.enqueue_indirect_dma source(%dma_start3A_4 : memref<10248x384xf32, #tpu.memory_space<hbm>>) target(%arg6 : memref<128x384xf32, #tpu.memory_space<vmem>>) offsets(%arg5 : memref<128xi32, #tpu.memory_space<vmem>>) semaphore(%run_scoped3A : memref<!tpu.dma_semaphore, #tpu.memory_space<semaphore_mem>>)
      %dma_wait3A = arith.constant 0 : i32
      %dma_wait3A_5 = arith.constant 0 : i32
      %dma_wait3A_6 = tpu.memref_slice %arg2[%dma_wait3A, %dma_wait3A_5] : memref<10248x384xf32, #tpu.memory_space<hbm>> -> memref<10248x384xf32, #tpu.memory_space<hbm>>
      tpu.wait_indirect_dma semaphore(%run_scoped3A : memref<!tpu.dma_semaphore, #tpu.memory_space<semaphore_mem>>) src(%dma_wait3A_6 : memref<10248x384xf32, #tpu.memory_space<hbm>>) dst(%arg6 : memref<128x384xf32, #tpu.memory_space<vmem>>)
      tpu.yield
    }) : () -> ()
    %mul3A_1 = arith.constant 128 : i32
    %mul3A_2 = arith.muli %add3A, %mul3A_1 : i32
    "tpu.region"() ({
      %run_scoped3A = tpu.sem_alloc : memref<!tpu.dma_semaphore, #tpu.memory_space<semaphore_mem>>
      %dma_start3A = arith.constant 0 : i32
      %dma_start3A_3 = tpu.memref_slice %arg4[%mul3A_2, %dma_start3A] : memref<4096x384xf32, #tpu.memory_space<hbm>> -> memref<128x384xf32, #tpu.memory_space<hbm>>
      %dma_start3A_4 = arith.constant 0 : i32
      %dma_start3A_5 = tpu.memref_slice %arg4[%mul3A_2, %dma_start3A_4] : memref<4096x384xf32, #tpu.memory_space<hbm>> -> memref<128x384xf32, #tpu.memory_space<hbm>>
      tpu.enqueue_dma source(%arg6 : memref<128x384xf32, #tpu.memory_space<vmem>>) target(%dma_start3A_5 : memref<128x384xf32, #tpu.memory_space<hbm>>) target_semaphore(%run_scoped3A : memref<!tpu.dma_semaphore, #tpu.memory_space<semaphore_mem>>)
      %dma_wait3A = arith.constant 0 : i32
      %dma_wait3A_6 = tpu.memref_slice %arg4[%mul3A_2, %dma_wait3A] : memref<4096x384xf32, #tpu.memory_space<hbm>> -> memref<128x384xf32, #tpu.memory_space<hbm>>
      %dma_wait3A_7 = arith.constant 0 : i32
      %dma_wait3A_8 = tpu.memref_slice %arg4[%mul3A_2, %dma_wait3A_7] : memref<4096x384xf32, #tpu.memory_space<hbm>> -> memref<128x384xf32, #tpu.memory_space<hbm>>
      tpu.wait_dma2 semaphore(%run_scoped3A : memref<!tpu.dma_semaphore, #tpu.memory_space<semaphore_mem>>) src(%arg6 : memref<128x384xf32, #tpu.memory_space<vmem>>) dst(%dma_wait3A_8 : memref<128x384xf32, #tpu.memory_space<hbm>>)
      tpu.yield
    }) : () -> ()
    return
  }
}

module attributes {stable_mosaic.version = 14 : i64} {
  func.func @_router_body(%arg0: memref<2048x768xf32, #tpu.memory_space<vmem>>, %arg1: memref<64x768xf32, #tpu.memory_space<vmem>>, %arg2: memref<1x1xf32, #tpu.memory_space<vmem>>, %arg3: memref<2048x2xf32, #tpu.memory_space<vmem>>, %arg4: memref<2048x2xi32, #tpu.memory_space<vmem>>, %arg5: memref<2048x384xf32, #tpu.memory_space<vmem>>, %arg6: memref<2048x1xf32, #tpu.memory_space<vmem>>) attributes {dimension_semantics = [], scalar_prefetch = 0 : i64, scratch_operands = 1 : i64, tpu.core_type = #tpu.core_type<tc>} {
    %get3A = arith.constant 0 : index
    %get3A_0 = arith.constant 0 : index
    %get3A_1 = vector.load %arg0[%get3A, %get3A_0] : memref<2048x768xf32, #tpu.memory_space<vmem>>, vector<2048x768xf32>
    %get3A_2 = arith.constant 0 : index
    %get3A_3 = arith.constant 0 : index
    %get3A_4 = vector.load %arg1[%get3A_2, %get3A_3] : memref<64x768xf32, #tpu.memory_space<vmem>>, vector<64x768xf32>
    %convert_element_type3A = arith.truncf %get3A_1 : vector<2048x768xf32> to vector<2048x768xbf16>
    %convert_element_type3A_5 = arith.truncf %get3A_1 : vector<2048x768xf32> to vector<2048x768xbf16>
    %convert_element_type3A_6 = arith.extf %convert_element_type3A_5 : vector<2048x768xbf16> to vector<2048x768xf32>
    %slice3A = vector.extract_strided_slice %convert_element_type3A_6 {offsets = [0, 0], sizes = [2048, 384], strides = [1, 1]} : vector<2048x768xf32> to vector<2048x384xf32>
    %bitcast_convert_type3A = tpu.bitcast %slice3A : vector<2048x384xf32> -> vector<2048x384xi32>
    %slice3A_7 = vector.extract_strided_slice %convert_element_type3A_6 {offsets = [0, 384], sizes = [2048, 384], strides = [1, 1]} : vector<2048x768xf32> to vector<2048x384xf32>
    %bitcast_convert_type3A_8 = tpu.bitcast %slice3A_7 : vector<2048x384xf32> -> vector<2048x384xi32>
    %shift_right_logical3A = arith.constant 16 : i32
    %shift_right_logical3A_9 = vector.broadcast %shift_right_logical3A : i32 to vector<2048x384xi32>
    %shift_right_logical3A_10 = arith.shrui %bitcast_convert_type3A, %shift_right_logical3A_9 : vector<2048x384xi32>
    %shift_right_logical3A_11 = arith.constant 16 : i32
    %shift_right_logical3A_12 = vector.broadcast %shift_right_logical3A_11 : i32 to vector<2048x384xi32>
    %shift_right_logical3A_13 = arith.shrui %bitcast_convert_type3A_8, %shift_right_logical3A_12 : vector<2048x384xi32>
    %shift_left3A = arith.constant 16 : i32
    %shift_left3A_14 = vector.broadcast %shift_left3A : i32 to vector<2048x384xi32>
    %shift_left3A_15 = arith.shli %shift_right_logical3A_13, %shift_left3A_14 : vector<2048x384xi32>
    %or3A = arith.ori %shift_right_logical3A_10, %shift_left3A_15 : vector<2048x384xi32>
    %bitcast_convert_type3A_16 = tpu.bitcast %or3A : vector<2048x384xi32> -> vector<2048x384xf32>
    %swap3A = arith.constant 0 : index
    %swap3A_17 = arith.constant 0 : index
    %swap3A_18 = vector.load %arg5[%swap3A, %swap3A_17] : memref<2048x384xf32, #tpu.memory_space<vmem>>, vector<2048x384xf32>
    tpu.vector_store %arg5[%swap3A, %swap3A_17], %bitcast_convert_type3A_16 {strides = array<i32>} : memref<2048x384xf32, #tpu.memory_space<vmem>>, vector<2048x384xf32>,
    %convert_element_type3A_19 = arith.truncf %get3A_4 : vector<64x768xf32> to vector<64x768xbf16>
    %dot_general3A = arith.constant dense<0.000000e+00> : vector<2048x64xf32>
    %dot_general3A_20 = tpu.matmul %convert_element_type3A, %convert_element_type3A_19, %dot_general3A {dimension_numbers = #tpu.dot_dimension_numbers<[1], [1], [0], [0], [0, 0, 1, 0], [], []>, transpose_lhs_hint = false} : vector<2048x768xbf16>, vector<64x768xbf16>, vector<2048x64xf32> -> vector<2048x64xf32>
    %reduce_max3A = arith.constant dense<0xFF800000> : vector<2048xf32>
    %reduce_max3A_21 = vector.multi_reduction <maximumf>, %dot_general3A_20, %reduce_max3A [1] : vector<2048x64xf32> to vector<2048xf32>
    %broadcast_in_dim3A = vector.shape_cast %reduce_max3A_21 : vector<2048xf32> to vector<2048x1xf32>
    %sub3A = vector.broadcast %broadcast_in_dim3A : vector<2048x1xf32> to vector<2048x64xf32>
    %sub3A_22 = arith.subf %dot_general3A_20, %sub3A : vector<2048x64xf32>
    %exp3A = math.exp %sub3A_22 : vector<2048x64xf32>
    %reduce_sum3A = arith.constant dense<0.000000e+00> : vector<2048xf32>
    %reduce_sum3A_23 = vector.multi_reduction <add>, %exp3A, %reduce_sum3A [1] : vector<2048x64xf32> to vector<2048xf32>
    %broadcast_in_dim3A_24 = vector.shape_cast %reduce_sum3A_23 : vector<2048xf32> to vector<2048x1xf32>
    %div3A = vector.broadcast %broadcast_in_dim3A_24 : vector<2048x1xf32> to vector<2048x64xf32>
    %div3A_25 = arith.divf %exp3A, %div3A : vector<2048x64xf32>
    %reduce_sum3A_26 = arith.constant dense<0.000000e+00> : vector<64xf32>
    %reduce_sum3A_27 = vector.multi_reduction <add>, %div3A_25, %reduce_sum3A_26 [0] : vector<2048x64xf32> to vector<64xf32>
    %broadcast_in_dim3A_28 = vector.shape_cast %reduce_sum3A_27 : vector<64xf32> to vector<1x64xf32>
    %mul3A = arith.constant 4.8828125E-4 : f32
    %mul3A_29 = vector.broadcast %mul3A : f32 to vector<1x64xf32>
    %mul3A_30 = arith.mulf %broadcast_in_dim3A_28, %mul3A_29 : vector<1x64xf32>
    %iota3A = tpu.iota {dimensions = array<i32: 1>} : vector<1x64xi32>
    %reduce_max3A_31 = arith.constant dense<0xFF800000> : vector<2048xf32>
    %reduce_max3A_32 = vector.multi_reduction <maximumf>, %div3A_25, %reduce_max3A_31 [1] : vector<2048x64xf32> to vector<2048xf32>
    %broadcast_in_dim3A_33 = vector.shape_cast %reduce_max3A_32 : vector<2048xf32> to vector<2048x1xf32>
    %eq3A = vector.broadcast %broadcast_in_dim3A_33 : vector<2048x1xf32> to vector<2048x64xf32>
    %eq3A_34 = arith.cmpf oeq, %div3A_25, %eq3A : vector<2048x64xf32>
    %jit3A = arith.constant 64 : i32
    %broadcast_in_dim3A_35 = vector.shape_cast %iota3A : vector<1x64xi32> to vector<1x64xi32>
    %broadcast_in_dim3A_36 = vector.broadcast %broadcast_in_dim3A_35 : vector<1x64xi32> to vector<2048x64xi32>
    %broadcast_in_dim3A_37 = vector.broadcast %jit3A : i32 to vector<2048x64xi32>
    %select_n3A = arith.select %eq3A_34, %broadcast_in_dim3A_36, %broadcast_in_dim3A_37 : vector<2048x64xi1>, vector<2048x64xi32>
    %reduce_min3A = arith.constant dense<2147483647> : vector<2048xi32>
    %reduce_min3A_38 = vector.multi_reduction <minsi>, %select_n3A, %reduce_min3A [1] : vector<2048x64xi32> to vector<2048xi32>
    %broadcast_in_dim3A_39 = vector.shape_cast %reduce_min3A_38 : vector<2048xi32> to vector<2048x1xi32>
    %eq3A_40 = vector.broadcast %iota3A : vector<1x64xi32> to vector<2048x64xi32>
    %eq3A_41 = vector.broadcast %broadcast_in_dim3A_39 : vector<2048x1xi32> to vector<2048x64xi32>
    %eq3A_42 = arith.cmpi eq, %eq3A_40, %eq3A_41 : vector<2048x64xi32>
    %jit3A_43 = arith.constant -1.000000e+00 : f32
    %broadcast_in_dim3A_44 = vector.broadcast %jit3A_43 : f32 to vector<2048x64xf32>
    %select_n3A_45 = arith.select %eq3A_42, %broadcast_in_dim3A_44, %div3A_25 : vector<2048x64xi1>, vector<2048x64xf32>
    %reduce_max3A_46 = arith.constant dense<0xFF800000> : vector<2048xf32>
    %reduce_max3A_47 = vector.multi_reduction <maximumf>, %select_n3A_45, %reduce_max3A_46 [1] : vector<2048x64xf32> to vector<2048xf32>
    %broadcast_in_dim3A_48 = vector.shape_cast %reduce_max3A_47 : vector<2048xf32> to vector<2048x1xf32>
    %eq3A_49 = vector.broadcast %broadcast_in_dim3A_48 : vector<2048x1xf32> to vector<2048x64xf32>
    %eq3A_50 = arith.cmpf oeq, %select_n3A_45, %eq3A_49 : vector<2048x64xf32>
    %jit3A_51 = arith.constant 64 : i32
    %broadcast_in_dim3A_52 = vector.shape_cast %iota3A : vector<1x64xi32> to vector<1x64xi32>
    %broadcast_in_dim3A_53 = vector.broadcast %broadcast_in_dim3A_52 : vector<1x64xi32> to vector<2048x64xi32>
    %broadcast_in_dim3A_54 = vector.broadcast %jit3A_51 : i32 to vector<2048x64xi32>
    %select_n3A_55 = arith.select %eq3A_50, %broadcast_in_dim3A_53, %broadcast_in_dim3A_54 : vector<2048x64xi1>, vector<2048x64xi32>
    %reduce_min3A_56 = arith.constant dense<2147483647> : vector<2048xi32>
    %reduce_min3A_57 = vector.multi_reduction <minsi>, %select_n3A_55, %reduce_min3A_56 [1] : vector<2048x64xi32> to vector<2048xi32>
    %broadcast_in_dim3A_58 = vector.shape_cast %reduce_min3A_57 : vector<2048xi32> to vector<2048x1xi32>
    %add3A = arith.addf %broadcast_in_dim3A_33, %broadcast_in_dim3A_48 : vector<2048x1xf32>
    %add3A_59 = arith.constant 9.99999993E-9 : f32
    %add3A_60 = vector.broadcast %add3A_59 : f32 to vector<2048x1xf32>
    %add3A_61 = arith.addf %add3A, %add3A_60 : vector<2048x1xf32>
    %div3A_62 = arith.divf %broadcast_in_dim3A_33, %add3A_61 : vector<2048x1xf32>
    %div3A_63 = arith.divf %broadcast_in_dim3A_48, %add3A_61 : vector<2048x1xf32>
    %iota3A_64 = tpu.iota {dimensions = array<i32: 1>} : vector<2048x64xi32>
    %eq3A_65 = vector.broadcast %broadcast_in_dim3A_39 : vector<2048x1xi32> to vector<2048x64xi32>
    %eq3A_66 = arith.cmpi eq, %eq3A_65, %iota3A_64 : vector<2048x64xi32>
    %eq3A_67 = vector.broadcast %broadcast_in_dim3A_58 : vector<2048x1xi32> to vector<2048x64xi32>
    %eq3A_68 = arith.cmpi eq, %eq3A_67, %iota3A_64 : vector<2048x64xi32>
    %convert_element_type3A_69 = arith.extui %eq3A_66 : vector<2048x64xi1> to vector<2048x64xi32>
    %convert_element_type3A_70 = arith.sitofp %convert_element_type3A_69 : vector<2048x64xi32> to vector<2048x64xf32>
    %reduce_sum3A_71 = arith.constant dense<0.000000e+00> : vector<64xf32>
    %reduce_sum3A_72 = vector.multi_reduction <add>, %convert_element_type3A_70, %reduce_sum3A_71 [0] : vector<2048x64xf32> to vector<64xf32>
    %broadcast_in_dim3A_73 = vector.shape_cast %reduce_sum3A_72 : vector<64xf32> to vector<1x64xf32>
    %convert_element_type3A_74 = arith.extui %eq3A_68 : vector<2048x64xi1> to vector<2048x64xi32>
    %convert_element_type3A_75 = arith.sitofp %convert_element_type3A_74 : vector<2048x64xi32> to vector<2048x64xf32>
    %reduce_sum3A_76 = arith.constant dense<0.000000e+00> : vector<64xf32>
    %reduce_sum3A_77 = vector.multi_reduction <add>, %convert_element_type3A_75, %reduce_sum3A_76 [0] : vector<2048x64xf32> to vector<64xf32>
    %broadcast_in_dim3A_78 = vector.shape_cast %reduce_sum3A_77 : vector<64xf32> to vector<1x64xf32>
    %reduce_max3A_79 = vector.shape_cast %broadcast_in_dim3A_73 : vector<1x64xf32> to vector<1x1x64xf32>
    %reduce_max3A_80 = arith.constant dense<0xFF800000> : vector<1xf32>
    %reduce_max3A_81 = vector.multi_reduction <maximumf>, %reduce_max3A_79, %reduce_max3A_80 [1, 2] : vector<1x1x64xf32> to vector<1xf32>
    %reduce_max3A_82 = vector.shape_cast %reduce_max3A_81 : vector<1xf32> to vector<1x1x1xf32>
    %reduce_max3A_83 = vector.extract %reduce_max3A_82[0, 0, 0] : f32 from vector<1x1x1xf32>
    %reduce_max3A_84 = vector.shape_cast %broadcast_in_dim3A_78 : vector<1x64xf32> to vector<1x1x64xf32>
    %reduce_max3A_85 = arith.constant dense<0xFF800000> : vector<1xf32>
    %reduce_max3A_86 = vector.multi_reduction <maximumf>, %reduce_max3A_84, %reduce_max3A_85 [1, 2] : vector<1x1x64xf32> to vector<1xf32>
    %reduce_max3A_87 = vector.shape_cast %reduce_max3A_86 : vector<1xf32> to vector<1x1x1xf32>
    %reduce_max3A_88 = vector.extract %reduce_max3A_87[0, 0, 0] : f32 from vector<1x1x1xf32>
    %max3A = arith.maximumf %reduce_max3A_83, %reduce_max3A_88 : f32
    %gt3A = arith.constant 8.000000e+01 : f32
    %gt3A_89 = arith.cmpf ogt, %max3A, %gt3A : f32
    %broadcast_in_dim3A_90 = arith.constant 0.000000e+00 : f32
    %broadcast_in_dim3A_91 = vector.broadcast %broadcast_in_dim3A_90 : f32 to vector<2048x1xf32>
    %swap3A_92 = arith.constant 0 : index
    %swap3A_93 = arith.constant 0 : index
    %swap3A_94 = vector.load %arg6[%swap3A_92, %swap3A_93] : memref<2048x1xf32, #tpu.memory_space<vmem>>, vector<2048x1xf32>
    tpu.vector_store %arg6[%swap3A_92, %swap3A_93], %broadcast_in_dim3A_91 {strides = array<i32>} : memref<2048x1xf32, #tpu.memory_space<vmem>>, vector<2048x1xf32>,
    %convert_element_type3A_95 = arith.extui %gt3A_89 : i1 to i32
    %cond3A = arith.constant 0 : i32
    %cond3A_96 = arith.cmpi ne, %convert_element_type3A_95, %cond3A : i32
    scf.if %cond3A_96 {
      %bitcast_convert_type3A_275 = tpu.bitcast %div3A_62 : vector<2048x1xf32> -> vector<2048x1xi32>
      %bitcast_convert_type3A_276 = tpu.bitcast %div3A_63 : vector<2048x1xf32> -> vector<2048x1xi32>
      %convert_element_type3A_277 = arith.sitofp %broadcast_in_dim3A_39 : vector<2048x1xi32> to vector<2048x1xf32>
      %convert_element_type3A_278 = arith.sitofp %broadcast_in_dim3A_58 : vector<2048x1xi32> to vector<2048x1xf32>
      %shift_right_logical3A_279 = arith.constant 0 : i32
      %shift_right_logical3A_280 = vector.broadcast %shift_right_logical3A_279 : i32 to vector<2048x1xi32>
      %shift_right_logical3A_281 = arith.shrui %bitcast_convert_type3A_275, %shift_right_logical3A_280 : vector<2048x1xi32>
      %and3A_282 = arith.constant 255 : i32
      %and3A_283 = vector.broadcast %and3A_282 : i32 to vector<2048x1xi32>
      %and3A_284 = arith.andi %shift_right_logical3A_281, %and3A_283 : vector<2048x1xi32>
      %convert_element_type3A_285 = arith.sitofp %and3A_284 : vector<2048x1xi32> to vector<2048x1xf32>
      %shift_right_logical3A_286 = arith.constant 8 : i32
      %shift_right_logical3A_287 = vector.broadcast %shift_right_logical3A_286 : i32 to vector<2048x1xi32>
      %shift_right_logical3A_288 = arith.shrui %bitcast_convert_type3A_275, %shift_right_logical3A_287 : vector<2048x1xi32>
      %and3A_289 = arith.constant 255 : i32
      %and3A_290 = vector.broadcast %and3A_289 : i32 to vector<2048x1xi32>
      %and3A_291 = arith.andi %shift_right_logical3A_288, %and3A_290 : vector<2048x1xi32>
      %convert_element_type3A_292 = arith.sitofp %and3A_291 : vector<2048x1xi32> to vector<2048x1xf32>
      %shift_right_logical3A_293 = arith.constant 16 : i32
      %shift_right_logical3A_294 = vector.broadcast %shift_right_logical3A_293 : i32 to vector<2048x1xi32>
      %shift_right_logical3A_295 = arith.shrui %bitcast_convert_type3A_275, %shift_right_logical3A_294 : vector<2048x1xi32>
      %and3A_296 = arith.constant 255 : i32
      %and3A_297 = vector.broadcast %and3A_296 : i32 to vector<2048x1xi32>
      %and3A_298 = arith.andi %shift_right_logical3A_295, %and3A_297 : vector<2048x1xi32>
      %convert_element_type3A_299 = arith.sitofp %and3A_298 : vector<2048x1xi32> to vector<2048x1xf32>
      %shift_right_logical3A_300 = arith.constant 24 : i32
      %shift_right_logical3A_301 = vector.broadcast %shift_right_logical3A_300 : i32 to vector<2048x1xi32>
      %shift_right_logical3A_302 = arith.shrui %bitcast_convert_type3A_275, %shift_right_logical3A_301 : vector<2048x1xi32>
      %and3A_303 = arith.constant 255 : i32
      %and3A_304 = vector.broadcast %and3A_303 : i32 to vector<2048x1xi32>
      %and3A_305 = arith.andi %shift_right_logical3A_302, %and3A_304 : vector<2048x1xi32>
      %convert_element_type3A_306 = arith.sitofp %and3A_305 : vector<2048x1xi32> to vector<2048x1xf32>
      %shift_right_logical3A_307 = arith.constant 0 : i32
      %shift_right_logical3A_308 = vector.broadcast %shift_right_logical3A_307 : i32 to vector<2048x1xi32>
      %shift_right_logical3A_309 = arith.shrui %bitcast_convert_type3A_276, %shift_right_logical3A_308 : vector<2048x1xi32>
      %and3A_310 = arith.constant 255 : i32
      %and3A_311 = vector.broadcast %and3A_310 : i32 to vector<2048x1xi32>
      %and3A_312 = arith.andi %shift_right_logical3A_309, %and3A_311 : vector<2048x1xi32>
      %convert_element_type3A_313 = arith.sitofp %and3A_312 : vector<2048x1xi32> to vector<2048x1xf32>
      %shift_right_logical3A_314 = arith.constant 8 : i32
      %shift_right_logical3A_315 = vector.broadcast %shift_right_logical3A_314 : i32 to vector<2048x1xi32>
      %shift_right_logical3A_316 = arith.shrui %bitcast_convert_type3A_276, %shift_right_logical3A_315 : vector<2048x1xi32>
      %and3A_317 = arith.constant 255 : i32
      %and3A_318 = vector.broadcast %and3A_317 : i32 to vector<2048x1xi32>
      %and3A_319 = arith.andi %shift_right_logical3A_316, %and3A_318 : vector<2048x1xi32>
      %convert_element_type3A_320 = arith.sitofp %and3A_319 : vector<2048x1xi32> to vector<2048x1xf32>
      %shift_right_logical3A_321 = arith.constant 16 : i32
      %shift_right_logical3A_322 = vector.broadcast %shift_right_logical3A_321 : i32 to vector<2048x1xi32>
      %shift_right_logical3A_323 = arith.shrui %bitcast_convert_type3A_276, %shift_right_logical3A_322 : vector<2048x1xi32>
      %and3A_324 = arith.constant 255 : i32
      %and3A_325 = vector.broadcast %and3A_324 : i32 to vector<2048x1xi32>
      %and3A_326 = arith.andi %shift_right_logical3A_323, %and3A_325 : vector<2048x1xi32>
      %convert_element_type3A_327 = arith.sitofp %and3A_326 : vector<2048x1xi32> to vector<2048x1xf32>
      %shift_right_logical3A_328 = arith.constant 24 : i32
      %shift_right_logical3A_329 = vector.broadcast %shift_right_logical3A_328 : i32 to vector<2048x1xi32>
      %shift_right_logical3A_330 = arith.shrui %bitcast_convert_type3A_276, %shift_right_logical3A_329 : vector<2048x1xi32>
      %and3A_331 = arith.constant 255 : i32
      %and3A_332 = vector.broadcast %and3A_331 : i32 to vector<2048x1xi32>
      %and3A_333 = arith.andi %shift_right_logical3A_330, %and3A_332 : vector<2048x1xi32>
      %convert_element_type3A_334 = arith.sitofp %and3A_333 : vector<2048x1xi32> to vector<2048x1xf32>
      %concatenate3A_335 = tpu.concatenate %convert_element_type3A_277, %convert_element_type3A_278, %convert_element_type3A_285, %convert_element_type3A_292, %convert_element_type3A_299, %convert_element_type3A_306, %convert_element_type3A_313, %convert_element_type3A_320, %convert_element_type3A_327, %convert_element_type3A_334 in 1 : vector<2048x1xf32>, vector<2048x1xf32>, vector<2048x1xf32>, vector<2048x1xf32>, vector<2048x1xf32>, vector<2048x1xf32>, vector<2048x1xf32>, vector<2048x1xf32>, vector<2048x1xf32>, vector<2048x1xf32> -> vector<2048x10xf32>
      %convert_element_type3A_336 = arith.truncf %concatenate3A_335 : vector<2048x10xf32> to vector<2048x10xbf16>
      %iota3A_337 = tpu.iota {dimensions = array<i32: 0>} : vector<2048x512xi32>
      %iota3A_338 = tpu.iota {dimensions = array<i32: 1>} : vector<2048x512xi32>
      %add3A_339 = arith.constant 0 : i32
      %add3A_340 = vector.broadcast %add3A_339 : i32 to vector<2048x512xi32>
      %add3A_341 = arith.addi %add3A_340, %iota3A_338 : vector<2048x512xi32>
      %eq3A_342 = arith.cmpi eq, %iota3A_337, %add3A_341 : vector<2048x512xi32>
      %convert_element_type3A_343 = arith.extui %eq3A_342 : vector<2048x512xi1> to vector<2048x512xi32>
      %convert_element_type3A_344 = arith.sitofp %convert_element_type3A_343 : vector<2048x512xi32> to vector<2048x512xf32>
      %convert_element_type3A_345 = arith.truncf %convert_element_type3A_344 : vector<2048x512xf32> to vector<2048x512xbf16>
      %dot_general3A_346 = arith.constant dense<0.000000e+00> : vector<10x512xf32>
      %dot_general3A_347 = tpu.matmul %convert_element_type3A_336, %convert_element_type3A_345, %dot_general3A_346 {dimension_numbers = #tpu.dot_dimension_numbers<[0], [0], [1], [1], [0, 1, 1, 1], [], []>, transpose_lhs_hint = false} : vector<2048x10xbf16>, vector<2048x512xbf16>, vector<10x512xf32> -> vector<10x512xf32>
      %iota3A_348 = tpu.iota {dimensions = array<i32: 0>} : vector<2048x512xi32>
      %iota3A_349 = tpu.iota {dimensions = array<i32: 1>} : vector<2048x512xi32>
      %add3A_350 = arith.constant 512 : i32
      %add3A_351 = vector.broadcast %add3A_350 : i32 to vector<2048x512xi32>
      %add3A_352 = arith.addi %add3A_351, %iota3A_349 : vector<2048x512xi32>
      %eq3A_353 = arith.cmpi eq, %iota3A_348, %add3A_352 : vector<2048x512xi32>
      %convert_element_type3A_354 = arith.extui %eq3A_353 : vector<2048x512xi1> to vector<2048x512xi32>
      %convert_element_type3A_355 = arith.sitofp %convert_element_type3A_354 : vector<2048x512xi32> to vector<2048x512xf32>
      %convert_element_type3A_356 = arith.truncf %convert_element_type3A_355 : vector<2048x512xf32> to vector<2048x512xbf16>
      %dot_general3A_357 = arith.constant dense<0.000000e+00> : vector<10x512xf32>
      %dot_general3A_358 = tpu.matmul %convert_element_type3A_336, %convert_element_type3A_356, %dot_general3A_357 {dimension_numbers = #tpu.dot_dimension_numbers<[0], [0], [1], [1], [0, 1, 1, 1], [], []>, transpose_lhs_hint = false} : vector<2048x10xbf16>, vector<2048x512xbf16>, vector<10x512xf32> -> vector<10x512xf32>
      %iota3A_359 = tpu.iota {dimensions = array<i32: 0>} : vector<2048x512xi32>
      %iota3A_360 = tpu.iota {dimensions = array<i32: 1>} : vector<2048x512xi32>
      %add3A_361 = arith.constant 1024 : i32
      %add3A_362 = vector.broadcast %add3A_361 : i32 to vector<2048x512xi32>
      %add3A_363 = arith.addi %add3A_362, %iota3A_360 : vector<2048x512xi32>
      %eq3A_364 = arith.cmpi eq, %iota3A_359, %add3A_363 : vector<2048x512xi32>
      %convert_element_type3A_365 = arith.extui %eq3A_364 : vector<2048x512xi1> to vector<2048x512xi32>
      %convert_element_type3A_366 = arith.sitofp %convert_element_type3A_365 : vector<2048x512xi32> to vector<2048x512xf32>
      %convert_element_type3A_367 = arith.truncf %convert_element_type3A_366 : vector<2048x512xf32> to vector<2048x512xbf16>
      %dot_general3A_368 = arith.constant dense<0.000000e+00> : vector<10x512xf32>
      %dot_general3A_369 = tpu.matmul %convert_element_type3A_336, %convert_element_type3A_367, %dot_general3A_368 {dimension_numbers = #tpu.dot_dimension_numbers<[0], [0], [1], [1], [0, 1, 1, 1], [], []>, transpose_lhs_hint = false} : vector<2048x10xbf16>, vector<2048x512xbf16>, vector<10x512xf32> -> vector<10x512xf32>
      %iota3A_370 = tpu.iota {dimensions = array<i32: 0>} : vector<2048x512xi32>
      %iota3A_371 = tpu.iota {dimensions = array<i32: 1>} : vector<2048x512xi32>
      %add3A_372 = arith.constant 1536 : i32
      %add3A_373 = vector.broadcast %add3A_372 : i32 to vector<2048x512xi32>
      %add3A_374 = arith.addi %add3A_373, %iota3A_371 : vector<2048x512xi32>
      %eq3A_375 = arith.cmpi eq, %iota3A_370, %add3A_374 : vector<2048x512xi32>
      %convert_element_type3A_376 = arith.extui %eq3A_375 : vector<2048x512xi1> to vector<2048x512xi32>
      %convert_element_type3A_377 = arith.sitofp %convert_element_type3A_376 : vector<2048x512xi32> to vector<2048x512xf32>
      %convert_element_type3A_378 = arith.truncf %convert_element_type3A_377 : vector<2048x512xf32> to vector<2048x512xbf16>
      %dot_general3A_379 = arith.constant dense<0.000000e+00> : vector<10x512xf32>
      %dot_general3A_380 = tpu.matmul %convert_element_type3A_336, %convert_element_type3A_378, %dot_general3A_379 {dimension_numbers = #tpu.dot_dimension_numbers<[0], [0], [1], [1], [0, 1, 1, 1], [], []>, transpose_lhs_hint = false} : vector<2048x10xbf16>, vector<2048x512xbf16>, vector<10x512xf32> -> vector<10x512xf32>
      %concatenate3A_381 = tpu.concatenate %dot_general3A_347, %dot_general3A_358, %dot_general3A_369, %dot_general3A_380 in 1 : vector<10x512xf32>, vector<10x512xf32>, vector<10x512xf32>, vector<10x512xf32> -> vector<10x2048xf32>
      %slice3A_382 = vector.extract_strided_slice %concatenate3A_381 {offsets = [0, 0], sizes = [1, 2048], strides = [1, 1]} : vector<10x2048xf32> to vector<1x2048xf32>
      %convert_element_type3A_383 = arith.fptosi %slice3A_382 : vector<1x2048xf32> to vector<1x2048xi32>
      %slice3A_384 = vector.extract_strided_slice %concatenate3A_381 {offsets = [1, 0], sizes = [1, 2048], strides = [1, 1]} : vector<10x2048xf32> to vector<1x2048xf32>
      %convert_element_type3A_385 = arith.fptosi %slice3A_384 : vector<1x2048xf32> to vector<1x2048xi32>
      %slice3A_386 = vector.extract_strided_slice %concatenate3A_381 {offsets = [2, 0], sizes = [1, 2048], strides = [1, 1]} : vector<10x2048xf32> to vector<1x2048xf32>
      %convert_element_type3A_387 = arith.fptosi %slice3A_386 : vector<1x2048xf32> to vector<1x2048xi32>
      %slice3A_388 = vector.extract_strided_slice %concatenate3A_381 {offsets = [3, 0], sizes = [1, 2048], strides = [1, 1]} : vector<10x2048xf32> to vector<1x2048xf32>
      %convert_element_type3A_389 = arith.fptosi %slice3A_388 : vector<1x2048xf32> to vector<1x2048xi32>
      %shift_left3A_390 = arith.constant 8 : i32
      %shift_left3A_391 = vector.broadcast %shift_left3A_390 : i32 to vector<1x2048xi32>
      %shift_left3A_392 = arith.shli %convert_element_type3A_389, %shift_left3A_391 : vector<1x2048xi32>
      %or3A_393 = arith.ori %convert_element_type3A_387, %shift_left3A_392 : vector<1x2048xi32>
      %slice3A_394 = vector.extract_strided_slice %concatenate3A_381 {offsets = [4, 0], sizes = [1, 2048], strides = [1, 1]} : vector<10x2048xf32> to vector<1x2048xf32>
      %convert_element_type3A_395 = arith.fptosi %slice3A_394 : vector<1x2048xf32> to vector<1x2048xi32>
      %shift_left3A_396 = arith.constant 16 : i32
      %shift_left3A_397 = vector.broadcast %shift_left3A_396 : i32 to vector<1x2048xi32>
      %shift_left3A_398 = arith.shli %convert_element_type3A_395, %shift_left3A_397 : vector<1x2048xi32>
      %or3A_399 = arith.ori %or3A_393, %shift_left3A_398 : vector<1x2048xi32>
      %slice3A_400 = vector.extract_strided_slice %concatenate3A_381 {offsets = [5, 0], sizes = [1, 2048], strides = [1, 1]} : vector<10x2048xf32> to vector<1x2048xf32>
      %convert_element_type3A_401 = arith.fptosi %slice3A_400 : vector<1x2048xf32> to vector<1x2048xi32>
      %shift_left3A_402 = arith.constant 24 : i32
      %shift_left3A_403 = vector.broadcast %shift_left3A_402 : i32 to vector<1x2048xi32>
      %shift_left3A_404 = arith.shli %convert_element_type3A_401, %shift_left3A_403 : vector<1x2048xi32>
      %or3A_405 = arith.ori %or3A_399, %shift_left3A_404 : vector<1x2048xi32>
      %bitcast_convert_type3A_406 = tpu.bitcast %or3A_405 : vector<1x2048xi32> -> vector<1x2048xf32>
      %slice3A_407 = vector.extract_strided_slice %concatenate3A_381 {offsets = [6, 0], sizes = [1, 2048], strides = [1, 1]} : vector<10x2048xf32> to vector<1x2048xf32>
      %convert_element_type3A_408 = arith.fptosi %slice3A_407 : vector<1x2048xf32> to vector<1x2048xi32>
      %slice3A_409 = vector.extract_strided_slice %concatenate3A_381 {offsets = [7, 0], sizes = [1, 2048], strides = [1, 1]} : vector<10x2048xf32> to vector<1x2048xf32>
      %convert_element_type3A_410 = arith.fptosi %slice3A_409 : vector<1x2048xf32> to vector<1x2048xi32>
      %shift_left3A_411 = arith.constant 8 : i32
      %shift_left3A_412 = vector.broadcast %shift_left3A_411 : i32 to vector<1x2048xi32>
      %shift_left3A_413 = arith.shli %convert_element_type3A_410, %shift_left3A_412 : vector<1x2048xi32>
      %or3A_414 = arith.ori %convert_element_type3A_408, %shift_left3A_413 : vector<1x2048xi32>
      %slice3A_415 = vector.extract_strided_slice %concatenate3A_381 {offsets = [8, 0], sizes = [1, 2048], strides = [1, 1]} : vector<10x2048xf32> to vector<1x2048xf32>
      %convert_element_type3A_416 = arith.fptosi %slice3A_415 : vector<1x2048xf32> to vector<1x2048xi32>
      %shift_left3A_417 = arith.constant 16 : i32
      %shift_left3A_418 = vector.broadcast %shift_left3A_417 : i32 to vector<1x2048xi32>
      %shift_left3A_419 = arith.shli %convert_element_type3A_416, %shift_left3A_418 : vector<1x2048xi32>
      %or3A_420 = arith.ori %or3A_414, %shift_left3A_419 : vector<1x2048xi32>
      %slice3A_421 = vector.extract_strided_slice %concatenate3A_381 {offsets = [9, 0], sizes = [1, 2048], strides = [1, 1]} : vector<10x2048xf32> to vector<1x2048xf32>
      %convert_element_type3A_422 = arith.fptosi %slice3A_421 : vector<1x2048xf32> to vector<1x2048xi32>
      %shift_left3A_423 = arith.constant 24 : i32
      %shift_left3A_424 = vector.broadcast %shift_left3A_423 : i32 to vector<1x2048xi32>
      %shift_left3A_425 = arith.shli %convert_element_type3A_422, %shift_left3A_424 : vector<1x2048xi32>
      %or3A_426 = arith.ori %or3A_420, %shift_left3A_425 : vector<1x2048xi32>
      %bitcast_convert_type3A_427 = tpu.bitcast %or3A_426 : vector<1x2048xi32> -> vector<1x2048xf32>
      %iota3A_428 = tpu.iota {dimensions = array<i32: 0>} : vector<2048x1xi32>
      %broadcast_in_dim3A_429 = arith.constant 0.000000e+00 : f32
      %broadcast_in_dim3A_430 = vector.broadcast %broadcast_in_dim3A_429 : f32 to vector<2048x1xf32>
      %slice3A_431 = vector.extract_strided_slice %convert_element_type3A_383 {offsets = [0, 0], sizes = [1, 512], strides = [1, 1]} : vector<1x2048xi32> to vector<1x512xi32>
      %slice3A_432 = vector.extract_strided_slice %bitcast_convert_type3A_406 {offsets = [0, 0], sizes = [1, 512], strides = [1, 1]} : vector<1x2048xf32> to vector<1x512xf32>
      %iota3A_433 = tpu.iota {dimensions = array<i32: 1>} : vector<2048x512xi32>
      %add3A_434 = arith.constant 0 : i32
      %add3A_435 = vector.broadcast %add3A_434 : i32 to vector<2048x512xi32>
      %add3A_436 = arith.addi %iota3A_433, %add3A_435 : vector<2048x512xi32>
      %eq3A_437 = vector.broadcast %slice3A_431 : vector<1x512xi32> to vector<2048x512xi32>
      %eq3A_438 = vector.broadcast %broadcast_in_dim3A_39 : vector<2048x1xi32> to vector<2048x512xi32>
      %eq3A_439 = arith.cmpi eq, %eq3A_437, %eq3A_438 : vector<2048x512xi32>
      %gt3A_440 = vector.broadcast %slice3A_432 : vector<1x512xf32> to vector<2048x512xf32>
      %gt3A_441 = vector.broadcast %div3A_62 : vector<2048x1xf32> to vector<2048x512xf32>
      %gt3A_442 = arith.cmpf ogt, %gt3A_440, %gt3A_441 : vector<2048x512xf32>
      %eq3A_443 = vector.broadcast %slice3A_432 : vector<1x512xf32> to vector<2048x512xf32>
      %eq3A_444 = vector.broadcast %div3A_62 : vector<2048x1xf32> to vector<2048x512xf32>
      %eq3A_445 = arith.cmpf oeq, %eq3A_443, %eq3A_444 : vector<2048x512xf32>
      %lt3A_446 = vector.broadcast %iota3A_428 : vector<2048x1xi32> to vector<2048x512xi32>
      %lt3A_447 = arith.cmpi slt, %add3A_436, %lt3A_446 : vector<2048x512xi32>
      %and3A_448 = arith.andi %eq3A_445, %lt3A_447 : vector<2048x512xi1>
      %or3A_449 = arith.ori %gt3A_442, %and3A_448 : vector<2048x512xi1>
      %and3A_450 = arith.andi %eq3A_439, %or3A_449 : vector<2048x512xi1>
      %convert_element_type3A_451 = arith.extui %and3A_450 : vector<2048x512xi1> to vector<2048x512xi32>
      %convert_element_type3A_452 = arith.sitofp %convert_element_type3A_451 : vector<2048x512xi32> to vector<2048x512xf32>
      %reduce_sum3A_453 = arith.constant dense<0.000000e+00> : vector<2048xf32>
      %reduce_sum3A_454 = vector.multi_reduction <add>, %convert_element_type3A_452, %reduce_sum3A_453 [1] : vector<2048x512xf32> to vector<2048xf32>
      %broadcast_in_dim3A_455 = vector.shape_cast %reduce_sum3A_454 : vector<2048xf32> to vector<2048x1xf32>
      %add3A_456 = arith.addf %broadcast_in_dim3A_430, %broadcast_in_dim3A_455 : vector<2048x1xf32>
      %slice3A_457 = vector.extract_strided_slice %convert_element_type3A_383 {offsets = [0, 512], sizes = [1, 512], strides = [1, 1]} : vector<1x2048xi32> to vector<1x512xi32>
      %slice3A_458 = vector.extract_strided_slice %bitcast_convert_type3A_406 {offsets = [0, 512], sizes = [1, 512], strides = [1, 1]} : vector<1x2048xf32> to vector<1x512xf32>
      %iota3A_459 = tpu.iota {dimensions = array<i32: 1>} : vector<2048x512xi32>
      %add3A_460 = arith.constant 512 : i32
      %add3A_461 = vector.broadcast %add3A_460 : i32 to vector<2048x512xi32>
      %add3A_462 = arith.addi %iota3A_459, %add3A_461 : vector<2048x512xi32>
      %eq3A_463 = vector.broadcast %slice3A_457 : vector<1x512xi32> to vector<2048x512xi32>
      %eq3A_464 = vector.broadcast %broadcast_in_dim3A_39 : vector<2048x1xi32> to vector<2048x512xi32>
      %eq3A_465 = arith.cmpi eq, %eq3A_463, %eq3A_464 : vector<2048x512xi32>
      %gt3A_466 = vector.broadcast %slice3A_458 : vector<1x512xf32> to vector<2048x512xf32>
      %gt3A_467 = vector.broadcast %div3A_62 : vector<2048x1xf32> to vector<2048x512xf32>
      %gt3A_468 = arith.cmpf ogt, %gt3A_466, %gt3A_467 : vector<2048x512xf32>
      %eq3A_469 = vector.broadcast %slice3A_458 : vector<1x512xf32> to vector<2048x512xf32>
      %eq3A_470 = vector.broadcast %div3A_62 : vector<2048x1xf32> to vector<2048x512xf32>
      %eq3A_471 = arith.cmpf oeq, %eq3A_469, %eq3A_470 : vector<2048x512xf32>
      %lt3A_472 = vector.broadcast %iota3A_428 : vector<2048x1xi32> to vector<2048x512xi32>
      %lt3A_473 = arith.cmpi slt, %add3A_462, %lt3A_472 : vector<2048x512xi32>
      %and3A_474 = arith.andi %eq3A_471, %lt3A_473 : vector<2048x512xi1>
      %or3A_475 = arith.ori %gt3A_468, %and3A_474 : vector<2048x512xi1>
      %and3A_476 = arith.andi %eq3A_465, %or3A_475 : vector<2048x512xi1>
      %convert_element_type3A_477 = arith.extui %and3A_476 : vector<2048x512xi1> to vector<2048x512xi32>
      %convert_element_type3A_478 = arith.sitofp %convert_element_type3A_477 : vector<2048x512xi32> to vector<2048x512xf32>
      %reduce_sum3A_479 = arith.constant dense<0.000000e+00> : vector<2048xf32>
      %reduce_sum3A_480 = vector.multi_reduction <add>, %convert_element_type3A_478, %reduce_sum3A_479 [1] : vector<2048x512xf32> to vector<2048xf32>
      %broadcast_in_dim3A_481 = vector.shape_cast %reduce_sum3A_480 : vector<2048xf32> to vector<2048x1xf32>
      %add3A_482 = arith.addf %add3A_456, %broadcast_in_dim3A_481 : vector<2048x1xf32>
      %slice3A_483 = vector.extract_strided_slice %convert_element_type3A_383 {offsets = [0, 1024], sizes = [1, 512], strides = [1, 1]} : vector<1x2048xi32> to vector<1x512xi32>
      %slice3A_484 = vector.extract_strided_slice %bitcast_convert_type3A_406 {offsets = [0, 1024], sizes = [1, 512], strides = [1, 1]} : vector<1x2048xf32> to vector<1x512xf32>
      %iota3A_485 = tpu.iota {dimensions = array<i32: 1>} : vector<2048x512xi32>
      %add3A_486 = arith.constant 1024 : i32
      %add3A_487 = vector.broadcast %add3A_486 : i32 to vector<2048x512xi32>
      %add3A_488 = arith.addi %iota3A_485, %add3A_487 : vector<2048x512xi32>
      %eq3A_489 = vector.broadcast %slice3A_483 : vector<1x512xi32> to vector<2048x512xi32>
      %eq3A_490 = vector.broadcast %broadcast_in_dim3A_39 : vector<2048x1xi32> to vector<2048x512xi32>
      %eq3A_491 = arith.cmpi eq, %eq3A_489, %eq3A_490 : vector<2048x512xi32>
      %gt3A_492 = vector.broadcast %slice3A_484 : vector<1x512xf32> to vector<2048x512xf32>
      %gt3A_493 = vector.broadcast %div3A_62 : vector<2048x1xf32> to vector<2048x512xf32>
      %gt3A_494 = arith.cmpf ogt, %gt3A_492, %gt3A_493 : vector<2048x512xf32>
      %eq3A_495 = vector.broadcast %slice3A_484 : vector<1x512xf32> to vector<2048x512xf32>
      %eq3A_496 = vector.broadcast %div3A_62 : vector<2048x1xf32> to vector<2048x512xf32>
      %eq3A_497 = arith.cmpf oeq, %eq3A_495, %eq3A_496 : vector<2048x512xf32>
      %lt3A_498 = vector.broadcast %iota3A_428 : vector<2048x1xi32> to vector<2048x512xi32>
      %lt3A_499 = arith.cmpi slt, %add3A_488, %lt3A_498 : vector<2048x512xi32>
      %and3A_500 = arith.andi %eq3A_497, %lt3A_499 : vector<2048x512xi1>
      %or3A_501 = arith.ori %gt3A_494, %and3A_500 : vector<2048x512xi1>
      %and3A_502 = arith.andi %eq3A_491, %or3A_501 : vector<2048x512xi1>
      %convert_element_type3A_503 = arith.extui %and3A_502 : vector<2048x512xi1> to vector<2048x512xi32>
      %convert_element_type3A_504 = arith.sitofp %convert_element_type3A_503 : vector<2048x512xi32> to vector<2048x512xf32>
      %reduce_sum3A_505 = arith.constant dense<0.000000e+00> : vector<2048xf32>
      %reduce_sum3A_506 = vector.multi_reduction <add>, %convert_element_type3A_504, %reduce_sum3A_505 [1] : vector<2048x512xf32> to vector<2048xf32>
      %broadcast_in_dim3A_507 = vector.shape_cast %reduce_sum3A_506 : vector<2048xf32> to vector<2048x1xf32>
      %add3A_508 = arith.addf %add3A_482, %broadcast_in_dim3A_507 : vector<2048x1xf32>
      %slice3A_509 = vector.extract_strided_slice %convert_element_type3A_383 {offsets = [0, 1536], sizes = [1, 512], strides = [1, 1]} : vector<1x2048xi32> to vector<1x512xi32>
      %slice3A_510 = vector.extract_strided_slice %bitcast_convert_type3A_406 {offsets = [0, 1536], sizes = [1, 512], strides = [1, 1]} : vector<1x2048xf32> to vector<1x512xf32>
      %iota3A_511 = tpu.iota {dimensions = array<i32: 1>} : vector<2048x512xi32>
      %add3A_512 = arith.constant 1536 : i32
      %add3A_513 = vector.broadcast %add3A_512 : i32 to vector<2048x512xi32>
      %add3A_514 = arith.addi %iota3A_511, %add3A_513 : vector<2048x512xi32>
      %eq3A_515 = vector.broadcast %slice3A_509 : vector<1x512xi32> to vector<2048x512xi32>
      %eq3A_516 = vector.broadcast %broadcast_in_dim3A_39 : vector<2048x1xi32> to vector<2048x512xi32>
      %eq3A_517 = arith.cmpi eq, %eq3A_515, %eq3A_516 : vector<2048x512xi32>
      %gt3A_518 = vector.broadcast %slice3A_510 : vector<1x512xf32> to vector<2048x512xf32>
      %gt3A_519 = vector.broadcast %div3A_62 : vector<2048x1xf32> to vector<2048x512xf32>
      %gt3A_520 = arith.cmpf ogt, %gt3A_518, %gt3A_519 : vector<2048x512xf32>
      %eq3A_521 = vector.broadcast %slice3A_510 : vector<1x512xf32> to vector<2048x512xf32>
      %eq3A_522 = vector.broadcast %div3A_62 : vector<2048x1xf32> to vector<2048x512xf32>
      %eq3A_523 = arith.cmpf oeq, %eq3A_521, %eq3A_522 : vector<2048x512xf32>
      %lt3A_524 = vector.broadcast %iota3A_428 : vector<2048x1xi32> to vector<2048x512xi32>
      %lt3A_525 = arith.cmpi slt, %add3A_514, %lt3A_524 : vector<2048x512xi32>
      %and3A_526 = arith.andi %eq3A_523, %lt3A_525 : vector<2048x512xi1>
      %or3A_527 = arith.ori %gt3A_520, %and3A_526 : vector<2048x512xi1>
      %and3A_528 = arith.andi %eq3A_517, %or3A_527 : vector<2048x512xi1>
      %convert_element_type3A_529 = arith.extui %and3A_528 : vector<2048x512xi1> to vector<2048x512xi32>
      %convert_element_type3A_530 = arith.sitofp %convert_element_type3A_529 : vector<2048x512xi32> to vector<2048x512xf32>
      %reduce_sum3A_531 = arith.constant dense<0.000000e+00> : vector<2048xf32>
      %reduce_sum3A_532 = vector.multi_reduction <add>, %convert_element_type3A_530, %reduce_sum3A_531 [1] : vector<2048x512xf32> to vector<2048xf32>
      %broadcast_in_dim3A_533 = vector.shape_cast %reduce_sum3A_532 : vector<2048xf32> to vector<2048x1xf32>
      %add3A_534 = arith.addf %add3A_508, %broadcast_in_dim3A_533 : vector<2048x1xf32>
      %broadcast_in_dim3A_535 = arith.constant 0.000000e+00 : f32
      %broadcast_in_dim3A_536 = vector.broadcast %broadcast_in_dim3A_535 : f32 to vector<2048x1xf32>
      %slice3A_537 = vector.extract_strided_slice %convert_element_type3A_385 {offsets = [0, 0], sizes = [1, 512], strides = [1, 1]} : vector<1x2048xi32> to vector<1x512xi32>
      %slice3A_538 = vector.extract_strided_slice %bitcast_convert_type3A_427 {offsets = [0, 0], sizes = [1, 512], strides = [1, 1]} : vector<1x2048xf32> to vector<1x512xf32>
      %iota3A_539 = tpu.iota {dimensions = array<i32: 1>} : vector<2048x512xi32>
      %add3A_540 = arith.constant 0 : i32
      %add3A_541 = vector.broadcast %add3A_540 : i32 to vector<2048x512xi32>
      %add3A_542 = arith.addi %iota3A_539, %add3A_541 : vector<2048x512xi32>
      %eq3A_543 = vector.broadcast %slice3A_537 : vector<1x512xi32> to vector<2048x512xi32>
      %eq3A_544 = vector.broadcast %broadcast_in_dim3A_58 : vector<2048x1xi32> to vector<2048x512xi32>
      %eq3A_545 = arith.cmpi eq, %eq3A_543, %eq3A_544 : vector<2048x512xi32>
      %gt3A_546 = vector.broadcast %slice3A_538 : vector<1x512xf32> to vector<2048x512xf32>
      %gt3A_547 = vector.broadcast %div3A_63 : vector<2048x1xf32> to vector<2048x512xf32>
      %gt3A_548 = arith.cmpf ogt, %gt3A_546, %gt3A_547 : vector<2048x512xf32>
      %eq3A_549 = vector.broadcast %slice3A_538 : vector<1x512xf32> to vector<2048x512xf32>
      %eq3A_550 = vector.broadcast %div3A_63 : vector<2048x1xf32> to vector<2048x512xf32>
      %eq3A_551 = arith.cmpf oeq, %eq3A_549, %eq3A_550 : vector<2048x512xf32>
      %lt3A_552 = vector.broadcast %iota3A_428 : vector<2048x1xi32> to vector<2048x512xi32>
      %lt3A_553 = arith.cmpi slt, %add3A_542, %lt3A_552 : vector<2048x512xi32>
      %and3A_554 = arith.andi %eq3A_551, %lt3A_553 : vector<2048x512xi1>
      %or3A_555 = arith.ori %gt3A_548, %and3A_554 : vector<2048x512xi1>
      %and3A_556 = arith.andi %eq3A_545, %or3A_555 : vector<2048x512xi1>
      %convert_element_type3A_557 = arith.extui %and3A_556 : vector<2048x512xi1> to vector<2048x512xi32>
      %convert_element_type3A_558 = arith.sitofp %convert_element_type3A_557 : vector<2048x512xi32> to vector<2048x512xf32>
      %reduce_sum3A_559 = arith.constant dense<0.000000e+00> : vector<2048xf32>
      %reduce_sum3A_560 = vector.multi_reduction <add>, %convert_element_type3A_558, %reduce_sum3A_559 [1] : vector<2048x512xf32> to vector<2048xf32>
      %broadcast_in_dim3A_561 = vector.shape_cast %reduce_sum3A_560 : vector<2048xf32> to vector<2048x1xf32>
      %add3A_562 = arith.addf %broadcast_in_dim3A_536, %broadcast_in_dim3A_561 : vector<2048x1xf32>
      %slice3A_563 = vector.extract_strided_slice %convert_element_type3A_385 {offsets = [0, 512], sizes = [1, 512], strides = [1, 1]} : vector<1x2048xi32> to vector<1x512xi32>
      %slice3A_564 = vector.extract_strided_slice %bitcast_convert_type3A_427 {offsets = [0, 512], sizes = [1, 512], strides = [1, 1]} : vector<1x2048xf32> to vector<1x512xf32>
      %iota3A_565 = tpu.iota {dimensions = array<i32: 1>} : vector<2048x512xi32>
      %add3A_566 = arith.constant 512 : i32
      %add3A_567 = vector.broadcast %add3A_566 : i32 to vector<2048x512xi32>
      %add3A_568 = arith.addi %iota3A_565, %add3A_567 : vector<2048x512xi32>
      %eq3A_569 = vector.broadcast %slice3A_563 : vector<1x512xi32> to vector<2048x512xi32>
      %eq3A_570 = vector.broadcast %broadcast_in_dim3A_58 : vector<2048x1xi32> to vector<2048x512xi32>
      %eq3A_571 = arith.cmpi eq, %eq3A_569, %eq3A_570 : vector<2048x512xi32>
      %gt3A_572 = vector.broadcast %slice3A_564 : vector<1x512xf32> to vector<2048x512xf32>
      %gt3A_573 = vector.broadcast %div3A_63 : vector<2048x1xf32> to vector<2048x512xf32>
      %gt3A_574 = arith.cmpf ogt, %gt3A_572, %gt3A_573 : vector<2048x512xf32>
      %eq3A_575 = vector.broadcast %slice3A_564 : vector<1x512xf32> to vector<2048x512xf32>
      %eq3A_576 = vector.broadcast %div3A_63 : vector<2048x1xf32> to vector<2048x512xf32>
      %eq3A_577 = arith.cmpf oeq, %eq3A_575, %eq3A_576 : vector<2048x512xf32>
      %lt3A_578 = vector.broadcast %iota3A_428 : vector<2048x1xi32> to vector<2048x512xi32>
      %lt3A_579 = arith.cmpi slt, %add3A_568, %lt3A_578 : vector<2048x512xi32>
      %and3A_580 = arith.andi %eq3A_577, %lt3A_579 : vector<2048x512xi1>
      %or3A_581 = arith.ori %gt3A_574, %and3A_580 : vector<2048x512xi1>
      %and3A_582 = arith.andi %eq3A_571, %or3A_581 : vector<2048x512xi1>
      %convert_element_type3A_583 = arith.extui %and3A_582 : vector<2048x512xi1> to vector<2048x512xi32>
      %convert_element_type3A_584 = arith.sitofp %convert_element_type3A_583 : vector<2048x512xi32> to vector<2048x512xf32>
      %reduce_sum3A_585 = arith.constant dense<0.000000e+00> : vector<2048xf32>
      %reduce_sum3A_586 = vector.multi_reduction <add>, %convert_element_type3A_584, %reduce_sum3A_585 [1] : vector<2048x512xf32> to vector<2048xf32>
      %broadcast_in_dim3A_587 = vector.shape_cast %reduce_sum3A_586 : vector<2048xf32> to vector<2048x1xf32>
      %add3A_588 = arith.addf %add3A_562, %broadcast_in_dim3A_587 : vector<2048x1xf32>
      %slice3A_589 = vector.extract_strided_slice %convert_element_type3A_385 {offsets = [0, 1024], sizes = [1, 512], strides = [1, 1]} : vector<1x2048xi32> to vector<1x512xi32>
      %slice3A_590 = vector.extract_strided_slice %bitcast_convert_type3A_427 {offsets = [0, 1024], sizes = [1, 512], strides = [1, 1]} : vector<1x2048xf32> to vector<1x512xf32>
      %iota3A_591 = tpu.iota {dimensions = array<i32: 1>} : vector<2048x512xi32>
      %add3A_592 = arith.constant 1024 : i32
      %add3A_593 = vector.broadcast %add3A_592 : i32 to vector<2048x512xi32>
      %add3A_594 = arith.addi %iota3A_591, %add3A_593 : vector<2048x512xi32>
      %eq3A_595 = vector.broadcast %slice3A_589 : vector<1x512xi32> to vector<2048x512xi32>
      %eq3A_596 = vector.broadcast %broadcast_in_dim3A_58 : vector<2048x1xi32> to vector<2048x512xi32>
      %eq3A_597 = arith.cmpi eq, %eq3A_595, %eq3A_596 : vector<2048x512xi32>
      %gt3A_598 = vector.broadcast %slice3A_590 : vector<1x512xf32> to vector<2048x512xf32>
      %gt3A_599 = vector.broadcast %div3A_63 : vector<2048x1xf32> to vector<2048x512xf32>
      %gt3A_600 = arith.cmpf ogt, %gt3A_598, %gt3A_599 : vector<2048x512xf32>
      %eq3A_601 = vector.broadcast %slice3A_590 : vector<1x512xf32> to vector<2048x512xf32>
      %eq3A_602 = vector.broadcast %div3A_63 : vector<2048x1xf32> to vector<2048x512xf32>
      %eq3A_603 = arith.cmpf oeq, %eq3A_601, %eq3A_602 : vector<2048x512xf32>
      %lt3A_604 = vector.broadcast %iota3A_428 : vector<2048x1xi32> to vector<2048x512xi32>
      %lt3A_605 = arith.cmpi slt, %add3A_594, %lt3A_604 : vector<2048x512xi32>
      %and3A_606 = arith.andi %eq3A_603, %lt3A_605 : vector<2048x512xi1>
      %or3A_607 = arith.ori %gt3A_600, %and3A_606 : vector<2048x512xi1>
      %and3A_608 = arith.andi %eq3A_597, %or3A_607 : vector<2048x512xi1>
      %convert_element_type3A_609 = arith.extui %and3A_608 : vector<2048x512xi1> to vector<2048x512xi32>
      %convert_element_type3A_610 = arith.sitofp %convert_element_type3A_609 : vector<2048x512xi32> to vector<2048x512xf32>
      %reduce_sum3A_611 = arith.constant dense<0.000000e+00> : vector<2048xf32>
      %reduce_sum3A_612 = vector.multi_reduction <add>, %convert_element_type3A_610, %reduce_sum3A_611 [1] : vector<2048x512xf32> to vector<2048xf32>
      %broadcast_in_dim3A_613 = vector.shape_cast %reduce_sum3A_612 : vector<2048xf32> to vector<2048x1xf32>
      %add3A_614 = arith.addf %add3A_588, %broadcast_in_dim3A_613 : vector<2048x1xf32>
      %slice3A_615 = vector.extract_strided_slice %convert_element_type3A_385 {offsets = [0, 1536], sizes = [1, 512], strides = [1, 1]} : vector<1x2048xi32> to vector<1x512xi32>
      %slice3A_616 = vector.extract_strided_slice %bitcast_convert_type3A_427 {offsets = [0, 1536], sizes = [1, 512], strides = [1, 1]} : vector<1x2048xf32> to vector<1x512xf32>
      %iota3A_617 = tpu.iota {dimensions = array<i32: 1>} : vector<2048x512xi32>
      %add3A_618 = arith.constant 1536 : i32
      %add3A_619 = vector.broadcast %add3A_618 : i32 to vector<2048x512xi32>
      %add3A_620 = arith.addi %iota3A_617, %add3A_619 : vector<2048x512xi32>
      %eq3A_621 = vector.broadcast %slice3A_615 : vector<1x512xi32> to vector<2048x512xi32>
      %eq3A_622 = vector.broadcast %broadcast_in_dim3A_58 : vector<2048x1xi32> to vector<2048x512xi32>
      %eq3A_623 = arith.cmpi eq, %eq3A_621, %eq3A_622 : vector<2048x512xi32>
      %gt3A_624 = vector.broadcast %slice3A_616 : vector<1x512xf32> to vector<2048x512xf32>
      %gt3A_625 = vector.broadcast %div3A_63 : vector<2048x1xf32> to vector<2048x512xf32>
      %gt3A_626 = arith.cmpf ogt, %gt3A_624, %gt3A_625 : vector<2048x512xf32>
      %eq3A_627 = vector.broadcast %slice3A_616 : vector<1x512xf32> to vector<2048x512xf32>
      %eq3A_628 = vector.broadcast %div3A_63 : vector<2048x1xf32> to vector<2048x512xf32>
      %eq3A_629 = arith.cmpf oeq, %eq3A_627, %eq3A_628 : vector<2048x512xf32>
      %lt3A_630 = vector.broadcast %iota3A_428 : vector<2048x1xi32> to vector<2048x512xi32>
      %lt3A_631 = arith.cmpi slt, %add3A_620, %lt3A_630 : vector<2048x512xi32>
      %and3A_632 = arith.andi %eq3A_629, %lt3A_631 : vector<2048x512xi1>
      %or3A_633 = arith.ori %gt3A_626, %and3A_632 : vector<2048x512xi1>
      %and3A_634 = arith.andi %eq3A_623, %or3A_633 : vector<2048x512xi1>
      %convert_element_type3A_635 = arith.extui %and3A_634 : vector<2048x512xi1> to vector<2048x512xi32>
      %convert_element_type3A_636 = arith.sitofp %convert_element_type3A_635 : vector<2048x512xi32> to vector<2048x512xf32>
      %reduce_sum3A_637 = arith.constant dense<0.000000e+00> : vector<2048xf32>
      %reduce_sum3A_638 = vector.multi_reduction <add>, %convert_element_type3A_636, %reduce_sum3A_637 [1] : vector<2048x512xf32> to vector<2048xf32>
      %broadcast_in_dim3A_639 = vector.shape_cast %reduce_sum3A_638 : vector<2048xf32> to vector<2048x1xf32>
      %add3A_640 = arith.addf %add3A_614, %broadcast_in_dim3A_639 : vector<2048x1xf32>
      %ge3A = arith.constant 8.000000e+01 : f32
      %ge3A_641 = vector.broadcast %ge3A : f32 to vector<2048x1xf32>
      %ge3A_642 = arith.cmpf oge, %add3A_534, %ge3A_641 : vector<2048x1xf32>
      %ge3A_643 = arith.constant 8.000000e+01 : f32
      %ge3A_644 = vector.broadcast %ge3A_643 : f32 to vector<2048x1xf32>
      %ge3A_645 = arith.cmpf oge, %add3A_640, %ge3A_644 : vector<2048x1xf32>
      %or3A_646 = arith.ori %ge3A_642, %ge3A_645 : vector<2048x1xi1>
      %convert_element_type3A_647 = arith.extui %or3A_646 : vector<2048x1xi1> to vector<2048x1xi32>
      %convert_element_type3A_648 = arith.sitofp %convert_element_type3A_647 : vector<2048x1xi32> to vector<2048x1xf32>
      %swap3A_649 = arith.constant 0 : index
      %swap3A_650 = arith.constant 0 : index
      %swap3A_651 = vector.load %arg6[%swap3A_649, %swap3A_650] : memref<2048x1xf32, #tpu.memory_space<vmem>>, vector<2048x1xf32>
      tpu.vector_store %arg6[%swap3A_649, %swap3A_650], %convert_element_type3A_648 {strides = array<i32>} : memref<2048x1xf32, #tpu.memory_space<vmem>>, vector<2048x1xf32>,
    } else {
    }
    %get3A_97 = arith.constant 0 : index
    %get3A_98 = arith.constant 0 : index
    %get3A_99 = vector.load %arg6[%get3A_97, %get3A_98] : memref<2048x1xf32, #tpu.memory_space<vmem>>, vector<2048x1xf32>
    %gt3A_100 = arith.constant 0.000000e+00 : f32
    %gt3A_101 = vector.broadcast %gt3A_100 : f32 to vector<2048x1xf32>
    %gt3A_102 = arith.cmpf ogt, %get3A_99, %gt3A_101 : vector<2048x1xf32>
    %jit3A_103 = arith.constant 0.000000e+00 : f32
    %broadcast_in_dim3A_104 = vector.broadcast %jit3A_103 : f32 to vector<2048x1xf32>
    %select_n3A_105 = arith.select %gt3A_102, %broadcast_in_dim3A_104, %div3A_62 : vector<2048x1xi1>, vector<2048x1xf32>
    %jit3A_106 = arith.constant 0.000000e+00 : f32
    %broadcast_in_dim3A_107 = vector.broadcast %jit3A_106 : f32 to vector<2048x1xf32>
    %select_n3A_108 = arith.select %gt3A_102, %broadcast_in_dim3A_107, %div3A_63 : vector<2048x1xi1>, vector<2048x1xf32>
    %add3A_109 = arith.addf %select_n3A_105, %select_n3A_108 : vector<2048x1xf32>
    %max3A_110 = arith.constant 9.99999993E-9 : f32
    %max3A_111 = vector.broadcast %max3A_110 : f32 to vector<2048x1xf32>
    %max3A_112 = arith.maximumf %add3A_109, %max3A_111 : vector<2048x1xf32>
    %div3A_113 = arith.divf %select_n3A_105, %max3A_112 : vector<2048x1xf32>
    %div3A_114 = arith.divf %select_n3A_108, %max3A_112 : vector<2048x1xf32>
    %not3A = arith.constant dense<true> : vector<2048x1xi1>
    %not3A_115 = arith.xori %gt3A_102, %not3A : vector<2048x1xi1>
    %and3A = vector.broadcast %not3A_115 : vector<2048x1xi1> to vector<2048x64xi1>
    %and3A_116 = arith.andi %eq3A_66, %and3A : vector<2048x64xi1>
    %convert_element_type3A_117 = arith.extui %and3A_116 : vector<2048x64xi1> to vector<2048x64xi32>
    %convert_element_type3A_118 = arith.sitofp %convert_element_type3A_117 : vector<2048x64xi32> to vector<2048x64xf32>
    %convert_element_type3A_119 = arith.truncf %convert_element_type3A_118 : vector<2048x64xf32> to vector<2048x64xbf16>
    %and3A_120 = vector.broadcast %not3A_115 : vector<2048x1xi1> to vector<2048x64xi1>
    %and3A_121 = arith.andi %eq3A_68, %and3A_120 : vector<2048x64xi1>
    %convert_element_type3A_122 = arith.extui %and3A_121 : vector<2048x64xi1> to vector<2048x64xi32>
    %convert_element_type3A_123 = arith.sitofp %convert_element_type3A_122 : vector<2048x64xi32> to vector<2048x64xf32>
    %convert_element_type3A_124 = arith.truncf %convert_element_type3A_123 : vector<2048x64xf32> to vector<2048x64xbf16>
    %concatenate3A = tpu.concatenate %convert_element_type3A_119, %convert_element_type3A_124 in 1 : vector<2048x64xbf16>, vector<2048x64xbf16> -> vector<2048x128xbf16>
    %iota3A_125 = tpu.iota {dimensions = array<i32: 0>} : vector<256x2048xi32>
    %add3A_126 = arith.constant 0 : i32
    %add3A_127 = vector.broadcast %add3A_126 : i32 to vector<256x2048xi32>
    %add3A_128 = arith.addi %iota3A_125, %add3A_127 : vector<256x2048xi32>
    %iota3A_129 = tpu.iota {dimensions = array<i32: 1>} : vector<256x2048xi32>
    %lt3A = arith.cmpi slt, %iota3A_129, %add3A_128 : vector<256x2048xi32>
    %convert_element_type3A_130 = arith.extui %lt3A : vector<256x2048xi1> to vector<256x2048xi32>
    %convert_element_type3A_131 = arith.sitofp %convert_element_type3A_130 : vector<256x2048xi32> to vector<256x2048xf32>
    %convert_element_type3A_132 = arith.truncf %convert_element_type3A_131 : vector<256x2048xf32> to vector<256x2048xbf16>
    %dot_general3A_133 = arith.constant dense<0.000000e+00> : vector<256x128xf32>
    %dot_general3A_134 = tpu.matmul %convert_element_type3A_132, %concatenate3A, %dot_general3A_133 {dimension_numbers = #tpu.dot_dimension_numbers<[1], [0], [0], [1], [0, 0, 1, 1], [], []>, transpose_lhs_hint = false} : vector<256x2048xbf16>, vector<2048x128xbf16>, vector<256x128xf32> -> vector<256x128xf32>
    %iota3A_135 = tpu.iota {dimensions = array<i32: 0>} : vector<256x2048xi32>
    %add3A_136 = arith.constant 256 : i32
    %add3A_137 = vector.broadcast %add3A_136 : i32 to vector<256x2048xi32>
    %add3A_138 = arith.addi %iota3A_135, %add3A_137 : vector<256x2048xi32>
    %iota3A_139 = tpu.iota {dimensions = array<i32: 1>} : vector<256x2048xi32>
    %lt3A_140 = arith.cmpi slt, %iota3A_139, %add3A_138 : vector<256x2048xi32>
    %convert_element_type3A_141 = arith.extui %lt3A_140 : vector<256x2048xi1> to vector<256x2048xi32>
    %convert_element_type3A_142 = arith.sitofp %convert_element_type3A_141 : vector<256x2048xi32> to vector<256x2048xf32>
    %convert_element_type3A_143 = arith.truncf %convert_element_type3A_142 : vector<256x2048xf32> to vector<256x2048xbf16>
    %dot_general3A_144 = arith.constant dense<0.000000e+00> : vector<256x128xf32>
    %dot_general3A_145 = tpu.matmul %convert_element_type3A_143, %concatenate3A, %dot_general3A_144 {dimension_numbers = #tpu.dot_dimension_numbers<[1], [0], [0], [1], [0, 0, 1, 1], [], []>, transpose_lhs_hint = false} : vector<256x2048xbf16>, vector<2048x128xbf16>, vector<256x128xf32> -> vector<256x128xf32>
    %iota3A_146 = tpu.iota {dimensions = array<i32: 0>} : vector<256x2048xi32>
    %add3A_147 = arith.constant 512 : i32
    %add3A_148 = vector.broadcast %add3A_147 : i32 to vector<256x2048xi32>
    %add3A_149 = arith.addi %iota3A_146, %add3A_148 : vector<256x2048xi32>
    %iota3A_150 = tpu.iota {dimensions = array<i32: 1>} : vector<256x2048xi32>
    %lt3A_151 = arith.cmpi slt, %iota3A_150, %add3A_149 : vector<256x2048xi32>
    %convert_element_type3A_152 = arith.extui %lt3A_151 : vector<256x2048xi1> to vector<256x2048xi32>
    %convert_element_type3A_153 = arith.sitofp %convert_element_type3A_152 : vector<256x2048xi32> to vector<256x2048xf32>
    %convert_element_type3A_154 = arith.truncf %convert_element_type3A_153 : vector<256x2048xf32> to vector<256x2048xbf16>
    %dot_general3A_155 = arith.constant dense<0.000000e+00> : vector<256x128xf32>
    %dot_general3A_156 = tpu.matmul %convert_element_type3A_154, %concatenate3A, %dot_general3A_155 {dimension_numbers = #tpu.dot_dimension_numbers<[1], [0], [0], [1], [0, 0, 1, 1], [], []>, transpose_lhs_hint = false} : vector<256x2048xbf16>, vector<2048x128xbf16>, vector<256x128xf32> -> vector<256x128xf32>
    %iota3A_157 = tpu.iota {dimensions = array<i32: 0>} : vector<256x2048xi32>
    %add3A_158 = arith.constant 768 : i32
    %add3A_159 = vector.broadcast %add3A_158 : i32 to vector<256x2048xi32>
    %add3A_160 = arith.addi %iota3A_157, %add3A_159 : vector<256x2048xi32>
    %iota3A_161 = tpu.iota {dimensions = array<i32: 1>} : vector<256x2048xi32>
    %lt3A_162 = arith.cmpi slt, %iota3A_161, %add3A_160 : vector<256x2048xi32>
    %convert_element_type3A_163 = arith.extui %lt3A_162 : vector<256x2048xi1> to vector<256x2048xi32>
    %convert_element_type3A_164 = arith.sitofp %convert_element_type3A_163 : vector<256x2048xi32> to vector<256x2048xf32>
    %convert_element_type3A_165 = arith.truncf %convert_element_type3A_164 : vector<256x2048xf32> to vector<256x2048xbf16>
    %dot_general3A_166 = arith.constant dense<0.000000e+00> : vector<256x128xf32>
    %dot_general3A_167 = tpu.matmul %convert_element_type3A_165, %concatenate3A, %dot_general3A_166 {dimension_numbers = #tpu.dot_dimension_numbers<[1], [0], [0], [1], [0, 0, 1, 1], [], []>, transpose_lhs_hint = false} : vector<256x2048xbf16>, vector<2048x128xbf16>, vector<256x128xf32> -> vector<256x128xf32>
    %iota3A_168 = tpu.iota {dimensions = array<i32: 0>} : vector<256x2048xi32>
    %add3A_169 = arith.constant 1024 : i32
    %add3A_170 = vector.broadcast %add3A_169 : i32 to vector<256x2048xi32>
    %add3A_171 = arith.addi %iota3A_168, %add3A_170 : vector<256x2048xi32>
    %iota3A_172 = tpu.iota {dimensions = array<i32: 1>} : vector<256x2048xi32>
    %lt3A_173 = arith.cmpi slt, %iota3A_172, %add3A_171 : vector<256x2048xi32>
    %convert_element_type3A_174 = arith.extui %lt3A_173 : vector<256x2048xi1> to vector<256x2048xi32>
    %convert_element_type3A_175 = arith.sitofp %convert_element_type3A_174 : vector<256x2048xi32> to vector<256x2048xf32>
    %convert_element_type3A_176 = arith.truncf %convert_element_type3A_175 : vector<256x2048xf32> to vector<256x2048xbf16>
    %dot_general3A_177 = arith.constant dense<0.000000e+00> : vector<256x128xf32>
    %dot_general3A_178 = tpu.matmul %convert_element_type3A_176, %concatenate3A, %dot_general3A_177 {dimension_numbers = #tpu.dot_dimension_numbers<[1], [0], [0], [1], [0, 0, 1, 1], [], []>, transpose_lhs_hint = false} : vector<256x2048xbf16>, vector<2048x128xbf16>, vector<256x128xf32> -> vector<256x128xf32>
    %iota3A_179 = tpu.iota {dimensions = array<i32: 0>} : vector<256x2048xi32>
    %add3A_180 = arith.constant 1280 : i32
    %add3A_181 = vector.broadcast %add3A_180 : i32 to vector<256x2048xi32>
    %add3A_182 = arith.addi %iota3A_179, %add3A_181 : vector<256x2048xi32>
    %iota3A_183 = tpu.iota {dimensions = array<i32: 1>} : vector<256x2048xi32>
    %lt3A_184 = arith.cmpi slt, %iota3A_183, %add3A_182 : vector<256x2048xi32>
    %convert_element_type3A_185 = arith.extui %lt3A_184 : vector<256x2048xi1> to vector<256x2048xi32>
    %convert_element_type3A_186 = arith.sitofp %convert_element_type3A_185 : vector<256x2048xi32> to vector<256x2048xf32>
    %convert_element_type3A_187 = arith.truncf %convert_element_type3A_186 : vector<256x2048xf32> to vector<256x2048xbf16>
    %dot_general3A_188 = arith.constant dense<0.000000e+00> : vector<256x128xf32>
    %dot_general3A_189 = tpu.matmul %convert_element_type3A_187, %concatenate3A, %dot_general3A_188 {dimension_numbers = #tpu.dot_dimension_numbers<[1], [0], [0], [1], [0, 0, 1, 1], [], []>, transpose_lhs_hint = false} : vector<256x2048xbf16>, vector<2048x128xbf16>, vector<256x128xf32> -> vector<256x128xf32>
    %iota3A_190 = tpu.iota {dimensions = array<i32: 0>} : vector<256x2048xi32>
    %add3A_191 = arith.constant 1536 : i32
    %add3A_192 = vector.broadcast %add3A_191 : i32 to vector<256x2048xi32>
    %add3A_193 = arith.addi %iota3A_190, %add3A_192 : vector<256x2048xi32>
    %iota3A_194 = tpu.iota {dimensions = array<i32: 1>} : vector<256x2048xi32>
    %lt3A_195 = arith.cmpi slt, %iota3A_194, %add3A_193 : vector<256x2048xi32>
    %convert_element_type3A_196 = arith.extui %lt3A_195 : vector<256x2048xi1> to vector<256x2048xi32>
    %convert_element_type3A_197 = arith.sitofp %convert_element_type3A_196 : vector<256x2048xi32> to vector<256x2048xf32>
    %convert_element_type3A_198 = arith.truncf %convert_element_type3A_197 : vector<256x2048xf32> to vector<256x2048xbf16>
    %dot_general3A_199 = arith.constant dense<0.000000e+00> : vector<256x128xf32>
    %dot_general3A_200 = tpu.matmul %convert_element_type3A_198, %concatenate3A, %dot_general3A_199 {dimension_numbers = #tpu.dot_dimension_numbers<[1], [0], [0], [1], [0, 0, 1, 1], [], []>, transpose_lhs_hint = false} : vector<256x2048xbf16>, vector<2048x128xbf16>, vector<256x128xf32> -> vector<256x128xf32>
    %iota3A_201 = tpu.iota {dimensions = array<i32: 0>} : vector<256x2048xi32>
    %add3A_202 = arith.constant 1792 : i32
    %add3A_203 = vector.broadcast %add3A_202 : i32 to vector<256x2048xi32>
    %add3A_204 = arith.addi %iota3A_201, %add3A_203 : vector<256x2048xi32>
    %iota3A_205 = tpu.iota {dimensions = array<i32: 1>} : vector<256x2048xi32>
    %lt3A_206 = arith.cmpi slt, %iota3A_205, %add3A_204 : vector<256x2048xi32>
    %convert_element_type3A_207 = arith.extui %lt3A_206 : vector<256x2048xi1> to vector<256x2048xi32>
    %convert_element_type3A_208 = arith.sitofp %convert_element_type3A_207 : vector<256x2048xi32> to vector<256x2048xf32>
    %convert_element_type3A_209 = arith.truncf %convert_element_type3A_208 : vector<256x2048xf32> to vector<256x2048xbf16>
    %dot_general3A_210 = arith.constant dense<0.000000e+00> : vector<256x128xf32>
    %dot_general3A_211 = tpu.matmul %convert_element_type3A_209, %concatenate3A, %dot_general3A_210 {dimension_numbers = #tpu.dot_dimension_numbers<[1], [0], [0], [1], [0, 0, 1, 1], [], []>, transpose_lhs_hint = false} : vector<256x2048xbf16>, vector<2048x128xbf16>, vector<256x128xf32> -> vector<256x128xf32>
    %concatenate3A_212 = tpu.concatenate %dot_general3A_134, %dot_general3A_145, %dot_general3A_156, %dot_general3A_167, %dot_general3A_178, %dot_general3A_189, %dot_general3A_200, %dot_general3A_211 in 0 : vector<256x128xf32>, vector<256x128xf32>, vector<256x128xf32>, vector<256x128xf32>, vector<256x128xf32>, vector<256x128xf32>, vector<256x128xf32>, vector<256x128xf32> -> vector<2048x128xf32>
    %slice3A_213 = vector.extract_strided_slice %concatenate3A_212 {offsets = [0, 0], sizes = [2048, 64], strides = [1, 1]} : vector<2048x128xf32> to vector<2048x64xf32>
    %slice3A_214 = vector.extract_strided_slice %concatenate3A_212 {offsets = [0, 64], sizes = [2048, 64], strides = [1, 1]} : vector<2048x128xf32> to vector<2048x64xf32>
    %convert_element_type3A_215 = arith.extf %convert_element_type3A_119 : vector<2048x64xbf16> to vector<2048x64xf32>
    %convert_element_type3A_216 = arith.extf %convert_element_type3A_124 : vector<2048x64xbf16> to vector<2048x64xf32>
    %reduce_sum3A_217 = arith.constant dense<0.000000e+00> : vector<64xf32>
    %reduce_sum3A_218 = vector.multi_reduction <add>, %convert_element_type3A_215, %reduce_sum3A_217 [0] : vector<2048x64xf32> to vector<64xf32>
    %broadcast_in_dim3A_219 = vector.shape_cast %reduce_sum3A_218 : vector<64xf32> to vector<1x64xf32>
    %mul3A_220 = arith.mulf %convert_element_type3A_215, %slice3A_213 : vector<2048x64xf32>
    %reduce_sum3A_221 = arith.constant dense<0.000000e+00> : vector<2048xf32>
    %reduce_sum3A_222 = vector.multi_reduction <add>, %mul3A_220, %reduce_sum3A_221 [1] : vector<2048x64xf32> to vector<2048xf32>
    %broadcast_in_dim3A_223 = vector.shape_cast %reduce_sum3A_222 : vector<2048xf32> to vector<2048x1xf32>
    %add3A_224 = vector.broadcast %broadcast_in_dim3A_219 : vector<1x64xf32> to vector<2048x64xf32>
    %add3A_225 = arith.addf %slice3A_214, %add3A_224 : vector<2048x64xf32>
    %mul3A_226 = arith.mulf %convert_element_type3A_216, %add3A_225 : vector<2048x64xf32>
    %reduce_sum3A_227 = arith.constant dense<0.000000e+00> : vector<2048xf32>
    %reduce_sum3A_228 = vector.multi_reduction <add>, %mul3A_226, %reduce_sum3A_227 [1] : vector<2048x64xf32> to vector<2048xf32>
    %broadcast_in_dim3A_229 = vector.shape_cast %reduce_sum3A_228 : vector<2048xf32> to vector<2048x1xf32>
    %mul3A_230 = arith.constant 160 : i32
    %mul3A_231 = vector.broadcast %mul3A_230 : i32 to vector<2048x1xi32>
    %mul3A_232 = arith.muli %broadcast_in_dim3A_39, %mul3A_231 : vector<2048x1xi32>
    %convert_element_type3A_233 = arith.fptosi %broadcast_in_dim3A_223 : vector<2048x1xf32> to vector<2048x1xi32>
    %add3A_234 = arith.addi %mul3A_232, %convert_element_type3A_233 : vector<2048x1xi32>
    %jit3A_235 = arith.constant 10240 : i32
    %broadcast_in_dim3A_236 = vector.broadcast %jit3A_235 : i32 to vector<2048x1xi32>
    %select_n3A_237 = arith.select %not3A_115, %add3A_234, %broadcast_in_dim3A_236 : vector<2048x1xi1>, vector<2048x1xi32>
    %mul3A_238 = arith.constant 160 : i32
    %mul3A_239 = vector.broadcast %mul3A_238 : i32 to vector<2048x1xi32>
    %mul3A_240 = arith.muli %broadcast_in_dim3A_58, %mul3A_239 : vector<2048x1xi32>
    %convert_element_type3A_241 = arith.fptosi %broadcast_in_dim3A_229 : vector<2048x1xf32> to vector<2048x1xi32>
    %add3A_242 = arith.addi %mul3A_240, %convert_element_type3A_241 : vector<2048x1xi32>
    %jit3A_243 = arith.constant 10240 : i32
    %broadcast_in_dim3A_244 = vector.broadcast %jit3A_243 : i32 to vector<2048x1xi32>
    %select_n3A_245 = arith.select %not3A_115, %add3A_242, %broadcast_in_dim3A_244 : vector<2048x1xi1>, vector<2048x1xi32>
    %mul3A_246 = vector.broadcast %div3A_113 : vector<2048x1xf32> to vector<2048x64xf32>
    %mul3A_247 = arith.mulf %convert_element_type3A_215, %mul3A_246 : vector<2048x64xf32>
    %mul3A_248 = vector.broadcast %div3A_114 : vector<2048x1xf32> to vector<2048x64xf32>
    %mul3A_249 = arith.mulf %convert_element_type3A_216, %mul3A_248 : vector<2048x64xf32>
    %add3A_250 = arith.addf %mul3A_247, %mul3A_249 : vector<2048x64xf32>
    %reduce_sum3A_251 = arith.constant dense<0.000000e+00> : vector<64xf32>
    %reduce_sum3A_252 = vector.multi_reduction <add>, %add3A_250, %reduce_sum3A_251 [0] : vector<2048x64xf32> to vector<64xf32>
    %broadcast_in_dim3A_253 = vector.shape_cast %reduce_sum3A_252 : vector<64xf32> to vector<1x64xf32>
    %mul3A_254 = arith.constant 4.8828125E-4 : f32
    %mul3A_255 = vector.broadcast %mul3A_254 : f32 to vector<1x64xf32>
    %mul3A_256 = arith.mulf %broadcast_in_dim3A_253, %mul3A_255 : vector<1x64xf32>
    %mul3A_257 = arith.mulf %mul3A_30, %mul3A_256 : vector<1x64xf32>
    %mul3A_258 = arith.constant 6.400000e+01 : f32
    %mul3A_259 = vector.broadcast %mul3A_258 : f32 to vector<1x64xf32>
    %mul3A_260 = arith.mulf %mul3A_257, %mul3A_259 : vector<1x64xf32>
    %reduce_sum3A_261 = arith.constant dense<0.000000e+00> : vector<1xf32>
    %reduce_sum3A_262 = vector.multi_reduction <add>, %mul3A_260, %reduce_sum3A_261 [1] : vector<1x64xf32> to vector<1xf32>
    %broadcast_in_dim3A_263 = vector.shape_cast %reduce_sum3A_262 : vector<1xf32> to vector<1x1xf32>
    %swap3A_264 = arith.constant 0 : index
    %swap3A_265 = arith.constant 0 : index
    %swap3A_266 = vector.load %arg2[%swap3A_264, %swap3A_265] : memref<1x1xf32, #tpu.memory_space<vmem>>, vector<1x1xf32>
    tpu.vector_store %arg2[%swap3A_264, %swap3A_265], %broadcast_in_dim3A_263 {strides = array<i32>} : memref<1x1xf32, #tpu.memory_space<vmem>>, vector<1x1xf32>,
    %concatenate3A_267 = tpu.concatenate %div3A_113, %div3A_114 in 1 : vector<2048x1xf32>, vector<2048x1xf32> -> vector<2048x2xf32>
    %swap3A_268 = arith.constant 0 : index
    %swap3A_269 = arith.constant 0 : index
    %swap3A_270 = vector.load %arg3[%swap3A_268, %swap3A_269] : memref<2048x2xf32, #tpu.memory_space<vmem>>, vector<2048x2xf32>
    tpu.vector_store %arg3[%swap3A_268, %swap3A_269], %concatenate3A_267 {strides = array<i32>} : memref<2048x2xf32, #tpu.memory_space<vmem>>, vector<2048x2xf32>,
    %concatenate3A_271 = tpu.concatenate %select_n3A_237, %select_n3A_245 in 1 : vector<2048x1xi32>, vector<2048x1xi32> -> vector<2048x2xi32>
    %swap3A_272 = arith.constant 0 : index
    %swap3A_273 = arith.constant 0 : index
    %swap3A_274 = vector.load %arg4[%swap3A_272, %swap3A_273] : memref<2048x2xi32, #tpu.memory_space<vmem>>, vector<2048x2xi32>
    tpu.vector_store %arg4[%swap3A_272, %swap3A_273], %concatenate3A_271 {strides = array<i32>} : memref<2048x2xi32, #tpu.memory_space<vmem>>, vector<2048x2xi32>,
    return
  }
}

module attributes {stable_mosaic.version = 14 : i64} {
  func.func @_ffn_body(%arg0: i32, %arg1: i32, %arg2: memref<160x384xf32, #tpu.memory_space<vmem>>, %arg3: memref<1x768x1536xf32, #tpu.memory_space<vmem>>, %arg4: memref<1x1x1536xf32, #tpu.memory_space<vmem>>, %arg5: memref<1x1536x768xf32, #tpu.memory_space<vmem>>, %arg6: memref<1x1x768xf32, #tpu.memory_space<vmem>>, %arg7: memref<160x384xf32, #tpu.memory_space<vmem>>, %arg8: memref<160x768xf32, #tpu.memory_space<vmem>>) attributes {dimension_semantics = [#tpu.dimension_semantics<arbitrary>, #tpu.dimension_semantics<arbitrary>], iteration_bounds = array<i64: 64, 2>, scalar_prefetch = 0 : i64, scratch_operands = 1 : i64, tpu.core_type = #tpu.core_type<tc>, window_params = [{transform_indices = @transform_0, window_bounds = array<i64: 160, 384>}, {transform_indices = @transform_1, window_bounds = array<i64: 1, 768, 1536>}, {transform_indices = @transform_2, window_bounds = array<i64: 1, 1, 1536>}, {transform_indices = @transform_3, window_bounds = array<i64: 1, 1536, 768>}, {transform_indices = @transform_4, window_bounds = array<i64: 1, 1, 768>}, {transform_indices = @transform_5, window_bounds = array<i64: 160, 384>}]} {
    %get3A = arith.constant 0 : index
    %get3A_0 = arith.constant 0 : index
    %get3A_1 = vector.load %arg2[%get3A, %get3A_0] : memref<160x384xf32, #tpu.memory_space<vmem>>, vector<160x384xf32>
    %bitcast_convert_type3A = tpu.bitcast %get3A_1 : vector<160x384xf32> -> vector<160x384xi32>
    %shift_left3A = arith.constant 16 : i32
    %shift_left3A_2 = vector.broadcast %shift_left3A : i32 to vector<160x384xi32>
    %shift_left3A_3 = arith.shli %bitcast_convert_type3A, %shift_left3A_2 : vector<160x384xi32>
    %bitcast_convert_type3A_4 = tpu.bitcast %shift_left3A_3 : vector<160x384xi32> -> vector<160x384xf32>
    %shift_right_logical3A = arith.constant 16 : i32
    %shift_right_logical3A_5 = vector.broadcast %shift_right_logical3A : i32 to vector<160x384xi32>
    %shift_right_logical3A_6 = arith.shrui %bitcast_convert_type3A, %shift_right_logical3A_5 : vector<160x384xi32>
    %shift_left3A_7 = arith.constant 16 : i32
    %shift_left3A_8 = vector.broadcast %shift_left3A_7 : i32 to vector<160x384xi32>
    %shift_left3A_9 = arith.shli %shift_right_logical3A_6, %shift_left3A_8 : vector<160x384xi32>
    %bitcast_convert_type3A_10 = tpu.bitcast %shift_left3A_9 : vector<160x384xi32> -> vector<160x384xf32>
    %concatenate3A = tpu.concatenate %bitcast_convert_type3A_4, %bitcast_convert_type3A_10 in 1 : vector<160x384xf32>, vector<160x384xf32> -> vector<160x768xf32>
    %convert_element_type3A = arith.truncf %concatenate3A : vector<160x768xf32> to vector<160x768xbf16>
    %get3A_11 = arith.constant 0 : index
    %get3A_12 = arith.constant 0 : index
    %get3A_13 = arith.constant 0 : index
    %get3A_14 = vector.load %arg3[%get3A_11, %get3A_12, %get3A_13] : memref<1x768x1536xf32, #tpu.memory_space<vmem>>, vector<1x768x1536xf32>
    %get3A_15 = vector.shape_cast %get3A_14 : vector<1x768x1536xf32> to vector<768x1536xf32>
    %convert_element_type3A_16 = arith.truncf %get3A_15 : vector<768x1536xf32> to vector<768x1536xbf16>
    %dot_general3A = arith.constant dense<0.000000e+00> : vector<160x1536xf32>
    %dot_general3A_17 = tpu.matmul %convert_element_type3A, %convert_element_type3A_16, %dot_general3A {dimension_numbers = #tpu.dot_dimension_numbers<[1], [0], [0], [1], [0, 0, 1, 1], [], []>, transpose_lhs_hint = false} : vector<160x768xbf16>, vector<768x1536xbf16>, vector<160x1536xf32> -> vector<160x1536xf32>
    %get3A_18 = arith.constant 0 : index
    %get3A_19 = arith.constant 0 : index
    %get3A_20 = arith.constant 0 : index
    %get3A_21 = vector.load %arg4[%get3A_18, %get3A_19, %get3A_20] : memref<1x1x1536xf32, #tpu.memory_space<vmem>>, vector<1x1x1536xf32>
    %get3A_22 = vector.shape_cast %get3A_21 : vector<1x1x1536xf32> to vector<1x1536xf32>
    %add3A = vector.broadcast %get3A_22 : vector<1x1536xf32> to vector<160x1536xf32>
    %add3A_23 = arith.addf %dot_general3A_17, %add3A : vector<160x1536xf32>
    %mul3A = arith.constant 5.000000e-01 : f32
    %mul3A_24 = vector.broadcast %mul3A : f32 to vector<160x1536xf32>
    %mul3A_25 = arith.mulf %add3A_23, %mul3A_24 : vector<160x1536xf32>
    %mul3A_26 = arith.constant 0.707106769 : f32
    %mul3A_27 = vector.broadcast %mul3A_26 : f32 to vector<160x1536xf32>
    %mul3A_28 = arith.mulf %add3A_23, %mul3A_27 : vector<160x1536xf32>
    %erf3A = math.erf %mul3A_28 : vector<160x1536xf32>
    %add3A_29 = arith.constant 1.000000e+00 : f32
    %add3A_30 = vector.broadcast %add3A_29 : f32 to vector<160x1536xf32>
    %add3A_31 = arith.addf %add3A_30, %erf3A : vector<160x1536xf32>
    %mul3A_32 = arith.mulf %mul3A_25, %add3A_31 : vector<160x1536xf32>
    %convert_element_type3A_33 = arith.truncf %mul3A_32 : vector<160x1536xf32> to vector<160x1536xbf16>
    %get3A_34 = arith.constant 0 : index
    %get3A_35 = arith.constant 0 : index
    %get3A_36 = arith.constant 0 : index
    %get3A_37 = vector.load %arg5[%get3A_34, %get3A_35, %get3A_36] : memref<1x1536x768xf32, #tpu.memory_space<vmem>>, vector<1x1536x768xf32>
    %get3A_38 = vector.shape_cast %get3A_37 : vector<1x1536x768xf32> to vector<1536x768xf32>
    %convert_element_type3A_39 = arith.truncf %get3A_38 : vector<1536x768xf32> to vector<1536x768xbf16>
    %dot_general3A_40 = arith.constant dense<0.000000e+00> : vector<160x768xf32>
    %dot_general3A_41 = tpu.matmul %convert_element_type3A_33, %convert_element_type3A_39, %dot_general3A_40 {dimension_numbers = #tpu.dot_dimension_numbers<[1], [0], [0], [1], [0, 0, 1, 1], [], []>, transpose_lhs_hint = false} : vector<160x1536xbf16>, vector<1536x768xbf16>, vector<160x768xf32> -> vector<160x768xf32>
    %eq3A = arith.constant 0 : i32
    %eq3A_42 = arith.cmpi eq, %arg1, %eq3A : i32
    %convert_element_type3A_43 = arith.extui %eq3A_42 : i1 to i32
    %cond3A = arith.constant 0 : i32
    %cond3A_44 = arith.cmpi ne, %convert_element_type3A_43, %cond3A : i32
    scf.if %cond3A_44 {
      %swap3A = arith.constant 0 : index
      %swap3A_50 = arith.constant 0 : index
      %swap3A_51 = vector.load %arg8[%swap3A, %swap3A_50] : memref<160x768xf32, #tpu.memory_space<vmem>>, vector<160x768xf32>
      tpu.vector_store %arg8[%swap3A, %swap3A_50], %dot_general3A_41 {strides = array<i32>} : memref<160x768xf32, #tpu.memory_space<vmem>>, vector<160x768xf32>,
    } else {
    }
    %eq3A_45 = arith.constant 1 : i32
    %eq3A_46 = arith.cmpi eq, %arg1, %eq3A_45 : i32
    %convert_element_type3A_47 = arith.extui %eq3A_46 : i1 to i32
    %cond3A_48 = arith.constant 0 : i32
    %cond3A_49 = arith.cmpi ne, %convert_element_type3A_47, %cond3A_48 : i32
    scf.if %cond3A_49 {
      %get3A_50 = arith.constant 0 : index
      %get3A_51 = arith.constant 0 : index
      %get3A_52 = vector.load %arg8[%get3A_50, %get3A_51] : memref<160x768xf32, #tpu.memory_space<vmem>>, vector<160x768xf32>
      %add3A_53 = arith.addf %get3A_52, %dot_general3A_41 : vector<160x768xf32>
      %get3A_54 = arith.constant 0 : index
      %get3A_55 = arith.constant 0 : index
      %get3A_56 = arith.constant 0 : index
      %get3A_57 = vector.load %arg6[%get3A_54, %get3A_55, %get3A_56] : memref<1x1x768xf32, #tpu.memory_space<vmem>>, vector<1x1x768xf32>
      %get3A_58 = vector.shape_cast %get3A_57 : vector<1x1x768xf32> to vector<1x768xf32>
      %add3A_59 = vector.broadcast %get3A_58 : vector<1x768xf32> to vector<160x768xf32>
      %add3A_60 = arith.addf %add3A_53, %add3A_59 : vector<160x768xf32>
      %convert_element_type3A_61 = arith.truncf %add3A_60 : vector<160x768xf32> to vector<160x768xbf16>
      %convert_element_type3A_62 = arith.extf %convert_element_type3A_61 : vector<160x768xbf16> to vector<160x768xf32>
      %slice3A = vector.extract_strided_slice %convert_element_type3A_62 {offsets = [0, 0], sizes = [160, 384], strides = [1, 1]} : vector<160x768xf32> to vector<160x384xf32>
      %bitcast_convert_type3A_63 = tpu.bitcast %slice3A : vector<160x384xf32> -> vector<160x384xi32>
      %slice3A_64 = vector.extract_strided_slice %convert_element_type3A_62 {offsets = [0, 384], sizes = [160, 384], strides = [1, 1]} : vector<160x768xf32> to vector<160x384xf32>
      %bitcast_convert_type3A_65 = tpu.bitcast %slice3A_64 : vector<160x384xf32> -> vector<160x384xi32>
      %shift_right_logical3A_66 = arith.constant 16 : i32
      %shift_right_logical3A_67 = vector.broadcast %shift_right_logical3A_66 : i32 to vector<160x384xi32>
      %shift_right_logical3A_68 = arith.shrui %bitcast_convert_type3A_63, %shift_right_logical3A_67 : vector<160x384xi32>
      %shift_right_logical3A_69 = arith.constant 16 : i32
      %shift_right_logical3A_70 = vector.broadcast %shift_right_logical3A_69 : i32 to vector<160x384xi32>
      %shift_right_logical3A_71 = arith.shrui %bitcast_convert_type3A_65, %shift_right_logical3A_70 : vector<160x384xi32>
      %shift_left3A_72 = arith.constant 16 : i32
      %shift_left3A_73 = vector.broadcast %shift_left3A_72 : i32 to vector<160x384xi32>
      %shift_left3A_74 = arith.shli %shift_right_logical3A_71, %shift_left3A_73 : vector<160x384xi32>
      %or3A = arith.ori %shift_right_logical3A_68, %shift_left3A_74 : vector<160x384xi32>
      %bitcast_convert_type3A_75 = tpu.bitcast %or3A : vector<160x384xi32> -> vector<160x384xf32>
      %swap3A = arith.constant 0 : index
      %swap3A_76 = arith.constant 0 : index
      %swap3A_77 = vector.load %arg7[%swap3A, %swap3A_76] : memref<160x384xf32, #tpu.memory_space<vmem>>, vector<160x384xf32>
      tpu.vector_store %arg7[%swap3A, %swap3A_76], %bitcast_convert_type3A_75 {strides = array<i32>} : memref<160x384xf32, #tpu.memory_space<vmem>>, vector<160x384xf32>,
    } else {
    }
    return
  }
  func.func @transform_0(%arg0: i32, %arg1: i32) -> (i32, i32) {
    %c0_i32 = arith.constant 0 : i32
    %c0_i32_0 = arith.constant 0 : i32
    return %arg0, %c0_i32 : i32, i32
  }
  func.func @transform_1(%arg0: i32, %arg1: i32) -> (i32, i32, i32) {
    %c0_i32 = arith.constant 0 : i32
    %c0_i32_0 = arith.constant 0 : i32
    return %arg0, %c0_i32, %arg1 : i32, i32, i32
  }
  func.func @transform_2(%arg0: i32, %arg1: i32) -> (i32, i32, i32) {
    %c0_i32 = arith.constant 0 : i32
    %c0_i32_0 = arith.constant 0 : i32
    return %arg0, %c0_i32, %arg1 : i32, i32, i32
  }
  func.func @transform_3(%arg0: i32, %arg1: i32) -> (i32, i32, i32) {
    %c0_i32 = arith.constant 0 : i32
    %c0_i32_0 = arith.constant 0 : i32
    return %arg0, %arg1, %c0_i32 : i32, i32, i32
  }
  func.func @transform_4(%arg0: i32, %arg1: i32) -> (i32, i32, i32) {
    %c0_i32 = arith.constant 0 : i32
    %c0_i32_0 = arith.constant 0 : i32
    %c0_i32_1 = arith.constant 0 : i32
    return %arg0, %c0_i32, %c0_i32_0 : i32, i32, i32
  }
  func.func @transform_5(%arg0: i32, %arg1: i32) -> (i32, i32) {
    %c0_i32 = arith.constant 0 : i32
    %c0_i32_0 = arith.constant 0 : i32
    return %arg0, %c0_i32 : i32, i32
  }
}

module attributes {stable_mosaic.version = 14 : i64} {
  func.func @_combine_body(%arg0: i32, %arg1: memref<256x384xf32, #tpu.memory_space<vmem>>, %arg2: memref<256x384xf32, #tpu.memory_space<vmem>>, %arg3: memref<256x2xf32, #tpu.memory_space<vmem>>, %arg4: memref<256x768xf32, #tpu.memory_space<vmem>>) attributes {dimension_semantics = [#tpu.dimension_semantics<arbitrary>], iteration_bounds = array<i64: 8>, scalar_prefetch = 0 : i64, scratch_operands = 0 : i64, tpu.core_type = #tpu.core_type<tc>, window_params = [{transform_indices = @transform_0, window_bounds = array<i64: 256, 384>}, {transform_indices = @transform_1, window_bounds = array<i64: 256, 384>}, {transform_indices = @transform_2, window_bounds = array<i64: 256, 2>}, {transform_indices = @transform_3, window_bounds = array<i64: 256, 768>}]} {
    %get3A = arith.constant 0 : index
    %get3A_0 = arith.constant 0 : index
    %get3A_1 = vector.load %arg3[%get3A, %get3A_0] : memref<256x2xf32, #tpu.memory_space<vmem>>, vector<256x1xf32>
    %get3A_2 = arith.constant 0 : index
    %get3A_3 = arith.constant 1 : index
    %get3A_4 = vector.load %arg3[%get3A_2, %get3A_3] : memref<256x2xf32, #tpu.memory_space<vmem>>, vector<256x1xf32>
    %gt3A = arith.constant 0.000000e+00 : f32
    %gt3A_5 = vector.broadcast %gt3A : f32 to vector<256x1xf32>
    %gt3A_6 = arith.cmpf ogt, %get3A_1, %gt3A_5 : vector<256x1xf32>
    %get3A_7 = arith.constant 0 : index
    %get3A_8 = arith.constant 0 : index
    %get3A_9 = vector.load %arg1[%get3A_7, %get3A_8] : memref<256x384xf32, #tpu.memory_space<vmem>>, vector<256x384xf32>
    %bitcast_convert_type3A = tpu.bitcast %get3A_9 : vector<256x384xf32> -> vector<256x384xi32>
    %shift_left3A = arith.constant 16 : i32
    %shift_left3A_10 = vector.broadcast %shift_left3A : i32 to vector<256x384xi32>
    %shift_left3A_11 = arith.shli %bitcast_convert_type3A, %shift_left3A_10 : vector<256x384xi32>
    %bitcast_convert_type3A_12 = tpu.bitcast %shift_left3A_11 : vector<256x384xi32> -> vector<256x384xf32>
    %shift_right_logical3A = arith.constant 16 : i32
    %shift_right_logical3A_13 = vector.broadcast %shift_right_logical3A : i32 to vector<256x384xi32>
    %shift_right_logical3A_14 = arith.shrui %bitcast_convert_type3A, %shift_right_logical3A_13 : vector<256x384xi32>
    %shift_left3A_15 = arith.constant 16 : i32
    %shift_left3A_16 = vector.broadcast %shift_left3A_15 : i32 to vector<256x384xi32>
    %shift_left3A_17 = arith.shli %shift_right_logical3A_14, %shift_left3A_16 : vector<256x384xi32>
    %bitcast_convert_type3A_18 = tpu.bitcast %shift_left3A_17 : vector<256x384xi32> -> vector<256x384xf32>
    %concatenate3A = tpu.concatenate %bitcast_convert_type3A_12, %bitcast_convert_type3A_18 in 1 : vector<256x384xf32>, vector<256x384xf32> -> vector<256x768xf32>
    %convert_element_type3A = arith.truncf %concatenate3A : vector<256x768xf32> to vector<256x768xbf16>
    %convert_element_type3A_19 = arith.extf %convert_element_type3A : vector<256x768xbf16> to vector<256x768xf32>
    %mul3A = vector.broadcast %get3A_1 : vector<256x1xf32> to vector<256x768xf32>
    %mul3A_20 = arith.mulf %mul3A, %convert_element_type3A_19 : vector<256x768xf32>
    %jit3A = arith.constant 0.000000e+00 : f32
    %broadcast_in_dim3A = vector.shape_cast %gt3A_6 : vector<256x1xi1> to vector<256x1xi1>
    %broadcast_in_dim3A_21 = vector.broadcast %broadcast_in_dim3A : vector<256x1xi1> to vector<256x768xi1>
    %broadcast_in_dim3A_22 = vector.broadcast %jit3A : f32 to vector<256x768xf32>
    %select_n3A = arith.select %broadcast_in_dim3A_21, %mul3A_20, %broadcast_in_dim3A_22 : vector<256x768xi1>, vector<256x768xf32>
    %gt3A_23 = arith.constant 0.000000e+00 : f32
    %gt3A_24 = vector.broadcast %gt3A_23 : f32 to vector<256x1xf32>
    %gt3A_25 = arith.cmpf ogt, %get3A_4, %gt3A_24 : vector<256x1xf32>
    %get3A_26 = arith.constant 0 : index
    %get3A_27 = arith.constant 0 : index
    %get3A_28 = vector.load %arg2[%get3A_26, %get3A_27] : memref<256x384xf32, #tpu.memory_space<vmem>>, vector<256x384xf32>
    %bitcast_convert_type3A_29 = tpu.bitcast %get3A_28 : vector<256x384xf32> -> vector<256x384xi32>
    %shift_left3A_30 = arith.constant 16 : i32
    %shift_left3A_31 = vector.broadcast %shift_left3A_30 : i32 to vector<256x384xi32>
    %shift_left3A_32 = arith.shli %bitcast_convert_type3A_29, %shift_left3A_31 : vector<256x384xi32>
    %bitcast_convert_type3A_33 = tpu.bitcast %shift_left3A_32 : vector<256x384xi32> -> vector<256x384xf32>
    %shift_right_logical3A_34 = arith.constant 16 : i32
    %shift_right_logical3A_35 = vector.broadcast %shift_right_logical3A_34 : i32 to vector<256x384xi32>
    %shift_right_logical3A_36 = arith.shrui %bitcast_convert_type3A_29, %shift_right_logical3A_35 : vector<256x384xi32>
    %shift_left3A_37 = arith.constant 16 : i32
    %shift_left3A_38 = vector.broadcast %shift_left3A_37 : i32 to vector<256x384xi32>
    %shift_left3A_39 = arith.shli %shift_right_logical3A_36, %shift_left3A_38 : vector<256x384xi32>
    %bitcast_convert_type3A_40 = tpu.bitcast %shift_left3A_39 : vector<256x384xi32> -> vector<256x384xf32>
    %concatenate3A_41 = tpu.concatenate %bitcast_convert_type3A_33, %bitcast_convert_type3A_40 in 1 : vector<256x384xf32>, vector<256x384xf32> -> vector<256x768xf32>
    %convert_element_type3A_42 = arith.truncf %concatenate3A_41 : vector<256x768xf32> to vector<256x768xbf16>
    %convert_element_type3A_43 = arith.extf %convert_element_type3A_42 : vector<256x768xbf16> to vector<256x768xf32>
    %mul3A_44 = vector.broadcast %get3A_4 : vector<256x1xf32> to vector<256x768xf32>
    %mul3A_45 = arith.mulf %mul3A_44, %convert_element_type3A_43 : vector<256x768xf32>
    %jit3A_46 = arith.constant 0.000000e+00 : f32
    %broadcast_in_dim3A_47 = vector.shape_cast %gt3A_25 : vector<256x1xi1> to vector<256x1xi1>
    %broadcast_in_dim3A_48 = vector.broadcast %broadcast_in_dim3A_47 : vector<256x1xi1> to vector<256x768xi1>
    %broadcast_in_dim3A_49 = vector.broadcast %jit3A_46 : f32 to vector<256x768xf32>
    %select_n3A_50 = arith.select %broadcast_in_dim3A_48, %mul3A_45, %broadcast_in_dim3A_49 : vector<256x768xi1>, vector<256x768xf32>
    %add3A = arith.addf %select_n3A, %select_n3A_50 : vector<256x768xf32>
    %swap3A = arith.constant 0 : index
    %swap3A_51 = arith.constant 0 : index
    %swap3A_52 = vector.load %arg4[%swap3A, %swap3A_51] : memref<256x768xf32, #tpu.memory_space<vmem>>, vector<256x768xf32>
    tpu.vector_store %arg4[%swap3A, %swap3A_51], %add3A {strides = array<i32>} : memref<256x768xf32, #tpu.memory_space<vmem>>, vector<256x768xf32>,
    return
  }
  func.func @transform_0(%arg0: i32) -> (i32, i32) {
    %c0_i32 = arith.constant 0 : i32
    %c0_i32_0 = arith.constant 0 : i32
    return %arg0, %c0_i32 : i32, i32
  }
  func.func @transform_1(%arg0: i32) -> (i32, i32) {
    %add3A = arith.constant 8 : i32
    %add3A_0 = arith.addi %add3A, %arg0 : i32
    %c0_i32 = arith.constant 0 : i32
    %c0_i32_1 = arith.constant 0 : i32
    return %add3A_0, %c0_i32 : i32, i32
  }
  func.func @transform_2(%arg0: i32) -> (i32, i32) {
    %c0_i32 = arith.constant 0 : i32
    %c0_i32_0 = arith.constant 0 : i32
    return %arg0, %c0_i32 : i32, i32
  }
  func.func @transform_3(%arg0: i32) -> (i32, i32) {
    %c0_i32 = arith.constant 0 : i32
    %c0_i32_0 = arith.constant 0 : i32
    return %arg0, %c0_i32 : i32, i32
  }
}

</mosaic_0001>

<sc_bundles>
// kernel: kernel.10.cloned.1.call-start
scs
__scs_entry_jumppad:
0x0: {  	(pc) =	sbr.rel $0x88, $3  }
0x1: {  	(tag) =	ssettag $0x0;
	lr =	simm.s32 $0x1  }
0x2: {  	[smem:$0x3F9B] =	sst lr;
	_ =	strace $0xD0000000  }
0x3: {  	_ = 	snop  }
0x4: {  	_ = 	snop  }
0x5: {  	_ = 	snop  }
0x6: {  	_ = 	snop  }
0x7: {  	_ = 	snop  }
__scs_overlays_trampoline_lowered:
0x8: {  	[smem:$0x3FAA] =	sst s0  }
0x9: {  	[smem:$0x3FAB] =	sst s1  }
0xa: {  	[smem:$0x3FAC] =	sst s2  }
0xb: {  	[smem:$0x3FAD] =	sst s3  }
0xc: {  	[smem:$0x3FAE] =	sst s4  }
0xd: {  	[smem:$0x3FAF] =	sst s5  }
0xe: {  	[smem:$0x3FB0] =	sst s6  }
0xf: {  	[smem:$0x3FB1] =	sst s7  }
0x10: {  	[smem:$0x3FB2] =	sst s8  }
0x11: {  	[smem:$0x3FB3] =	sst s9;
	s0 =	simm.s32 @!p0 $0x0  }
0x12: {  	s1 =	sld [smem:$0x3F99];
	s0 =	simm.s32 @p0 $0x1  }
0x13: {  	[smem:$0x3FB4] =	sst s0;
	s0 =	simm.s32 @!p1 $0x0  }
0x14: {  	s2 =	sld [smem:$0x3F98];
	s0 =	simm.s32 @p1 $0x1  }
0x15: {  	[smem:$0x3FB5] =	sst s0;
	s0 =	simm.s32 @!p2 $0x0  }
0x16: {  	s3 =	sld [smem:$0x3FDB];
	s0 =	simm.s32 @p2 $0x1  }
0x17: {  	s4 =	simm.s32 $0x1BF5;
	[smem:$0x3FB7] =	sst s0  }
0x18: {  	s0 =	sld [smem:$0x3F9A];
	_ =	swait.ge [sflag:s4], $0x0  }
0x19: {  	s7 =	sld [smem:$0x3F9B]  }
0x1a: {  	s8 =	sadd.s32 $0xFFFFE003, lr  }
0x1b: {  	s9 =	sadd.s32 $0xFFFFFEF7, lr;
	s5 =	simm.s32 $0xFFFFFFFF;
	p2 =	slt.u32 s8, $0xFFFFF086  }
0x1c: {  	p1 =	slt.u32 s9, $0xF7A;
	s5 =	simm.s32 @!p2 $0x0  }
0x1d: {  	s5 =	simm.s32 @p1 $0x1;
	p0 =	seq.s32 s7, s2  }
0x1e: {  	s7 =	smul.u32 @!p0 $0xF7A, s2;
	p2 =	seq.s32 @!p0 s5, $0x0  }
0x1f: {  	s9 =	smul.u32 $0xF7A, s1;
	s8 =	simm.s32 @!p0 $0x1BF5;
	p2 =	por !p2, p0  }
0x20: {  	[sflag:s8] =	ssyncset.s32 @!p0 $0xFFFFF086;
	s6 =	sadd.s32 @!p0 s3, s7;
	s7 =	simm.s32 @!p0 $0x108  }
0x21: {  	s3 =	sadd.s32 s3, s9;
	s6 =	sadd.s32 @!p0 $0x88, s6;
	s7 =	simm.s32 @p2 $0x1082  }
0x22: {  	[simem:s7], [sflag:s8] =	dma.local @!p0 [hbm:s6], $0xF7A  }
0x23: {  	s9 =	sor.u32 $0xD0000000, s2;
	s6 =	simm.s32 $0x108;
	_ =	swait.ge @!p0 [sflag:s8], $0x0  }
0x24: {  	s3 =	sadd.s32 $0x88, s3;
	s6 =	simm.s32 @!p1 $0x1082;
	[sflag:s4] =	ssyncset.s32 $0xFFFFF086  }
0x25: {  	[simem:s6], [sflag:s4] =	dma.local [hbm:s3], $0xF7A  }
0x26: {  	[smem:$0x3F9B] =	sst s1;
	(tag) =	ssettag s2;
	_ =	strace s9  }
0x27: {  	s1 =	sld [smem:$0x3FAB]  }
0x28: {  	s2 =	sld [smem:$0x3FAC]  }
0x29: {  	s4 =	sld [smem:$0x3FAE]  }
0x2a: {  	p0 =	seq.s32 s5, $0x0;
	s5 =	sld [smem:$0x3FAF]  }
0x2b: {  	s6 =	sld [smem:$0x3FB0]  }
0x2c: {  	s7 =	sld [smem:$0x3FB1]  }
0x2d: {  	s3 =	simm.s32 $0x108;
	s8 =	sld [smem:$0x3FB2]  }
0x2e: {  	s3 =	simm.s32 @!p0 $0x1082;
	s9 =	sld [smem:$0x3FB3]  }
0x2f: {  	lr =	sadd.s32 s0, s3;
	s0 =	sld [smem:$0x3FAA]  }
0x30: {  	s3 =	sld [smem:$0x3FAD]  }
0x31: {  	[smem:$0x3FB6] =	sst s10  }
0x32: {  	s10 =	sld [smem:$0x3FB4];
	_ =	sdelay $0x3  }
0x33: {  	p0 =	seq.s32 s10, $0x1;
	s10 =	sld [smem:$0x3FB6];
	_ =	sdelay $0x3  }
0x34: {  	[smem:$0x3FB6] =	sst s10  }
0x35: {  	s10 =	sld [smem:$0x3FB5];
	_ =	sdelay $0x3  }
0x36: {  	p1 =	seq.s32 s10, $0x1;
	s10 =	sld [smem:$0x3FB6];
	_ =	sdelay $0x3  }
0x37: {  	[smem:$0x3FB6] =	sst s10  }
0x38: {  	s10 =	sld [smem:$0x3FB7]  }
0x39: {  	_ = 	snop;
	(pc) =	sbr.ind lr, $3  }
0x3a: {  	_ = 	snop  }
0x3b: {  	_ = 	snop  }
0x3c: {  	p2 =	seq.s32 s10, $0x1;
	s10 =	sld [smem:$0x3FB6]  }
0x3d: {  	_ =	shalt  }
0x3e: {  	_ =	shalt  }
0x3f: {  	_ =	shalt  }
0x40: {  	_ =	shalt  }
0x41: {  	_ =	shalt  }
0x42: {  	_ =	shalt  }
0x43: {  	_ =	shalt  }
0x44: {  	_ =	shalt  }
0x45: {  	_ =	shalt  }
0x46: {  	_ =	shalt  }
0x47: {  	_ =	shalt  }
0x48: {  	_ =	shalt  }
0x49: {  	_ =	shalt  }
0x4a: {  	_ =	shalt  }
0x4b: {  	_ =	shalt  }
0x4c: {  	_ =	shalt  }
0x4d: {  	_ =	shalt  }
0x4e: {  	_ =	shalt  }
0x4f: {  	_ =	shalt  }
0x50: {  	_ =	shalt  }
0x51: {  	_ =	shalt  }
0x52: {  	_ =	shalt  }
0x53: {  	_ =	shalt  }
0x54: {  	_ =	shalt  }
0x55: {  	_ =	shalt  }
0x56: {  	_ =	shalt  }
0x57: {  	_ =	shalt  }
0x58: {  	_ =	shalt  }
0x59: {  	_ =	shalt  }
0x5a: {  	_ =	shalt  }
0x5b: {  	_ =	shalt  }
0x5c: {  	_ =	shalt  }
0x5d: {  	_ =	shalt  }
0x5e: {  	_ =	shalt  }
0x5f: {  	_ =	shalt  }
0x60: {  	_ =	shalt  }
0x61: {  	_ =	shalt  }
0x62: {  	_ =	shalt  }
0x63: {  	_ =	shalt  }
0x64: {  	_ =	shalt  }
0x65: {  	_ =	shalt  }
0x66: {  	_ =	shalt  }
0x67: {  	_ =	shalt  }
0x68: {  	_ =	shalt  }
0x69: {  	_ =	shalt  }
0x6a: {  	_ =	shalt  }
0x6b: {  	_ =	shalt  }
0x6c: {  	_ =	shalt  }
0x6d: {  	_ =	shalt  }
0x6e: {  	_ =	shalt  }
0x6f: {  	_ =	shalt  }
0x70: {  	_ =	shalt  }
0x71: {  	_ =	shalt  }
0x72: {  	_ =	shalt  }
0x73: {  	_ =	shalt  }
0x74: {  	_ =	shalt  }
0x75: {  	_ =	shalt  }
0x76: {  	_ =	shalt  }
0x77: {  	_ =	shalt  }
0x78: {  	_ =	shalt  }
0x79: {  	_ =	shalt  }
0x7a: {  	_ =	shalt  }
0x7b: {  	_ =	shalt  }
0x7c: {  	_ =	shalt  }
0x7d: {  	_ =	shalt  }
0x7e: {  	_ =	shalt  }
0x7f: {  	_ =	shalt  }
0x80: {  	_ =	shalt  }
0x81: {  	_ =	shalt  }
0x82: {  	_ =	shalt  }
0x83: {  	_ =	shalt  }
0x84: {  	_ =	shalt  }
0x85: {  	_ =	shalt  }
0x86: {  	_ =	shalt  }
0x87: {  	_ =	shalt  }
.Lfunc_end0:
.L_simem_size_0:
called_computation.1_lowered:
.L_overlay_start_0:
0x88: {  	s2 =	sld [smem:$0x3FD9]  }
0x89: {  	s3 =	sld [smem:$0x3FFE];
	_ =	sdelay $0x1  }
0x8a: {  	s1 =	srdreg.scid  }
0x8b: {  	s0 =	sand.u32 $0x1, s1  }
0x8c: {  	s14 =	sshll.u32 s0, $0xA;
	s2 =	sadd.s32 s3, s2  }
0x8d: {  	s2 =	sadd.s32 s2, s14  }
0x8e: {  	[smem:$0x3FC2] =	sst s2  }
0x8f: {  	_ = 	snop  }
0x90: {  	s2 =	sld [smem:$0x3FD0];
	_ =	sdelay $0x2  }
0x91: {  	s15 =	simm.s32 $0xA;
	s4 =	simm.s32 $0x10  }
0x92: {  	[smem:s4], [sflag:s15] =	dma.local [hbm:s2], $0x1  }
0x93: {  	_ =	swait.eq [sflag:s15], $0x1  }
0x94: {  	[sflag:s15] =	ssyncset.done $0x0  }
0x95: {  	[sflag:s15] =	ssyncadd.s32 $0xFFFFFFFF  }
0x96: {  	s16 =	sld [smem:$0x10];
	(tm) =	ssettm $0x1  }
0x97: {  	s17 =	sld [smem:$0x3FFB];
	_ =	sdelay $0x3  }
0x98: {  	_ =	strace s17  }
0x99: {  	s3 =	sld [smem:$0x3FFC];
	_ =	sdelay $0x3  }
0x9a: {  	_ =	strace s3  }
0x9b: {  	s3 =	sld [smem:$0x3FFD];
	_ =	sdelay $0x3  }
0x9c: {  	_ =	strace s3  }
0x9d: {  	_ =	strace $0x8FFFFFFF  }
0x9e: {  	s18 =	sld [smem:$0x3FDB];
	_ =	sdelay $0x1  }
0x9f: {  	s19 =	simm.s32 $_scs_section_size  }
0xa0: {  	s5 =	simm.s32 $_size__tile_overlayer_lowered;
	s6 =	simm.s32 $_tile_overlayer_lowered  }
0xa1: {  	s22 =	simm.s32 $0x1BFF;
	s21 =	sshll.u32 s6, $0x1;
	s3 =	sadd.s32 s19, s18  }
0xa2: {  	s7 =	simm.s32 $0x0;
	s20 =	sshll.u32 s5, $0x1;
	s5 =	sadd.s32 s21, s3  }
0xa3: {  	[timem:s7], [sflag:s22] =	dma.local [hbm:s5], s20  }
0xa4: {  	_ =	swait.ge [sflag:s22], s20  }
0xa5: {  	s4 =	ssub.s32 $0x0, s20;
	[sflag:s22] =	ssyncset.done $0x0  }
0xa6: {  	[sflag:s22] =	ssyncadd.s32 s4;
	_ =	sdelay $0x1  }
0xa7: {  	s23 =	simm.s32 $0x1B8B  }
0xa8: {  	_ =	swait.ge [sflag:s23], $0x1  }
0xa9: {  	[sflag:s23] =	ssyncset.done $0x0  }
0xaa: {  	s25 =	simm.s32 $0x1B8E;
	s24 =	sld [smem:$0x3FFE];
	[sflag:s23] =	ssyncadd.s32 $0xFFFFFFFF  }
0xab: {  	s26 =	simm.s32 $execute0_lowered;
	[smem:$0x3FD2] =	sst s25  }
0xac: {  	s5 =	sshll.u32 s26, $0x1;
	_ =	strace $0x80000049;
	[dreg:$0x1] =	wrdreg $0xFFFFFFFF  }
0xad: {  	s28 =	simm.s32 $_size_execute0_lowered;
	s3 =	sadd.s32 s3, s5;
	[dreg:$0x0] =	wrdreg $0x0  }
0xae: {  	s5 =	sshll.u32 s28, $0x1;
	[dreg:$0x2] =	wrdreg s3  }
0xaf: {  	[dreg:$0x3] =	wrdreg s5  }
0xb0: {  	[dreg:$0x4] =	wrdreg $0xC0  }
0xb1: {  	_ =	task [dreg:s7], $0x5FFFF  }
0xb2: {  	[dreg:$0x1] =	wrdreg $0xFFFFFFFF  }
0xb3: {  	[dreg:$0x0] =	wrdreg $0x60  }
0xb4: {  	[dreg:$0x2] =	wrdreg s24  }
0xb5: {  	[dreg:$0x3] =	wrdreg s16  }
0xb6: {  	[dreg:$0x4] =	wrdreg $0x9  }
0xb7: {  	_ =	task.clear_ibuf [dreg:s7], $0x5FFFF;
	_ =	strace $0x90000049  }
0xb8: {  	s29 =	simm.s32 $0x9;
	_ =	strace $0x8000004B  }
0xb9: {  	_ =	swait.ge [sflag:s29], $0x1  }
0xba: {  	[sflag:s29] =	ssyncadd.s32 $0xFFFFFFFF  }
0xbb: {  	_ =	strace $0x9000004B  }
0xbc: {  	_ =	sfence  }
0xbd: {  	s30 =	sld [smem:$0x0];
	_ =	sdelay $0x2  }
0xbe: {  	s31 =	sshll.u32 s1, $0xD;
	s1 =	sshrl.u32 s1, $0x2  }
0xbf: {  	s3 =	sand.u32 $0x4000, s31;
	s1 =	sadd.s32 s1, s30  }
0xc0: {  	s0 =	sor.u32 s3, s0;
	s1 =	sshll.u32 s1, $0x11  }
0xc1: {  	s0 =	sor.u32 s1, s0  }
0xc2: {  	s0 =	sadd.s32 $0x8F2B, s0  }
0xc3: {  	[sflag:s0] =	ssyncadd.remote.s32 $0x1  }
0xc4: {  	_ =	sfence.sel $0xFFFF  }
0xc5: {  	[dreg:$0x0] =	wrdreg $0xFFFFFFFF;
	(pc) =	sbr.abs _section_cstart, $3  }
0xc6: {  	[dreg:$0x1] =	wrdreg $0xFFFFFFFF  }
0xc7: {  	_ =	task.clear_ibuf [dreg:s7], $0x2FFFF;
	_ =	strace $0x9FFFFFFF  }
0xc8: {  	(tm) =	ssettm $0x7FFFFFFF  }
0xc9: {  	_ =	shalt  }
tec
execute0_lowered:
.L_overlay_start_1:
0x0: {  	(tag) =	ssettag $0x1  }
0x1: {  	s1 =	srdreg.scid;
	s4 =	rddreg [dreg:$0x0]  }
0x2: {  	s0 =	stileid.u32;
	s3 =	rddreg [dreg:$0x1];
	s19 =	simm.s32 $0x880  }
0x3: {  	s20 =	simm.s32 $0xC80;
	s21 =	simm.s32 $0x1480;
	s23 =	simm.s32 $0x1880  }
0x4: {  	s24 =	simm.s32 $0x2080;
	s25 =	simm.s32 $0x2480;
	s26 =	simm.s32 $0x2C80  }
0x5: {  	s7 =	simm.s32 $0x80;
	s9 =	simm.s32 $0x3880;
	s10 =	simm.s32 $0x3C80  }
0x6: {  	s11 =	simm.s32 $0x4480;
	s12 =	simm.s32 $0x4880;
	s13 =	simm.s32 $0x5080  }
0x7: {  	s14 =	simm.s32 $0x5480;
	s1 =	sand.u32 $0x1, s1;
	s2 =	sshll.u32 s0, $0x1  }
0x8: {  	s15 =	simm.s32 $0x5C80;
	s5 =	sor.u32 s1, s2;
	s2 =	simm.s32 $0x0  }
0x9: {  	s16 =	simm.s32 $0x6080;
	s17 =	simm.s32 $0x6880;
	[smem:$0x7FF] =	sst s2  }
0xa: {  	s18 =	simm.s32 $0x6C80;
	_ =	strace $0x8000004A;
	[dreg:$0x5] =	wrdreg s19  }
0xb: {  	s28 =	simm.s32 $0xA480;
	s29 =	simm.s32 $0xA880;
	[dreg:$0x6] =	wrdreg s20  }
0xc: {  	s30 =	simm.s32 $0xB080;
	s31 =	simm.s32 $0xB480;
	[dreg:$0x7] =	wrdreg s21  }
0xd: {  	s1 =	ssub.s32 $0x2, s1;
	s6 =	sshll.u32 s5, $0x4;
	[dreg:$0x8] =	wrdreg s23  }
0xe: {  	s5 =	smul.u32 $0x1800, s5;
	s22 =	sshrl.u32 s1, $0x1;
	[dreg:$0x9] =	wrdreg s24  }
0xf: {  	s6 =	sadd.s32 s6, s4;
	s1 =	ssub.s32 s1, s22;
	[dreg:$0xa] =	wrdreg s25  }
0x10: {  	[dreg:$0xb] =	wrdreg s26;
	s19 =	simm.s32 $0x7480;
	s20 =	simm.s32 $0x7880  }
0x11: {  	s21 =	simm.s32 $0x8080;
	s22 =	simm.s32 $0x8480;
	s23 =	simm.s32 $0x8C80  }
0x12: {  	s24 =	simm.s32 $0x9080;
	s25 =	simm.s32 $0x9880;
	s6 =	sadd.s32 $0x9400, s6  }
0x13: {  	v2 =	vlaneseq.u32;
	s26 =	simm.s32 $0x9C80;
	s3 =	sadd.s32 s3, s5;
	[dreg:$0x3] =	wrdreg s6  }
0x14: {  	vm0 =	vmmov $0xffff;
	vm1 =	vmmov $0xff;
	v1 =	vshrl.u32 v2, $0x3;
	s5 =	smax.u32 s1, $0x1;
	s1 =	simm.s32 $0xBC80;
	[dreg:$0x4] =	wrdreg s3  }
0x15: {  	v0 =	vand.u32 $0x7, v2;
	v2 =	vor.u32 $0x8, v2;
	v1 =	vmul.u32 $0x8, v1;
	s3 =	sadd.s32 $0x9600, s4;
	s4 =	sadd.s32 $0x9700, s4;
	s6 =	simm.s32 $0x1  }
.LBB2_1:
0x16: {  	s0 =	rddreg [dreg:$0x3]  }
0x17: {  	[tilespmem:s2], [sflag:$0x1] =	stream.linear.gather [hbm4b:s0+s2], $0x80, $0x38;
	[tilespmem:$0xC080] =	vst v63  }
0x18: {  	_ =	swait.ge [sflag:s6], $0x80  }
0x19: {  	[sflag:s6] =	ssyncset.done $0x0  }
0x1a: {  	[sflag:s6] =	ssyncadd.s32 $0xFFFFFF80  }
0x1b: {  	v3 =	vld [tilespmem:$0x0];
	_ =	sdelay $0x4  }
0x1c: {  	v4 =	vshrl.u32 v3, $0x3  }
0x1d: {  	v4 =	vmul.u32 $0x18, v4  }
0x1e: {  	v3 =	vand.u32 $0x7, v3  }
0x1f: {  	v3 =	vor.u32 v3, v4  }
0x20: {  	v4 =	vperm.xlane v3, v0;
	_ =	sdelay $0x1  }
0x21: {  	v4 =	vadd.s32 v1, v4;
	_ =	sdelay $0x1  }
0x22: {  	v3 =	vperm.xlane v3, v2;
	_ =	sdelay $0x1  }
0x23: {  	v3 =	vadd.s32 v1, v3  }
0x24: {  	[tilespmem:s7], [sflag:$0x1] =	stream.indirect_vreg.gather [hbm4b:s3+s2], $0x80, v4, vm0, $0xb8;
	[tilespmem:$0xC080] =	vst v63  }
0x25: {  	s0 =	rddreg [dreg:$0x5]  }
0x26: {  	[tilespmem:s0], [sflag:$0x1] =	stream.indirect_vreg.gather [hbm4b:s4+s2], $0x80, v4, vm1, $0xb8;
	[tilespmem:$0xC080] =	vst v63  }
0x27: {  	s8 =	rddreg [dreg:$0x6]  }
0x28: {  	[tilespmem:s8], [sflag:$0x1] =	stream.indirect_vreg.gather [hbm4b:s3+s2], $0x80, v3, vm0, $0xb8;
	[tilespmem:$0xC080] =	vst v63  }
0x29: {  	s0 =	rddreg [dreg:$0x7]  }
0x2a: {  	[tilespmem:s0], [sflag:$0x1] =	stream.indirect_vreg.gather [hbm4b:s4+s2], $0x80, v3, vm1, $0xb8;
	[tilespmem:$0xC080] =	vst v63  }
0x2b: {  	v3 =	vld [tilespmem:$0x10];
	_ =	sdelay $0x4  }
0x2c: {  	v57 =	vshrl.u32 v3, $0x3  }
0x2d: {  	v4 =	vmul.u32 $0x18, v57  }
0x2e: {  	v3 =	vand.u32 $0x7, v3  }
0x2f: {  	v3 =	vor.u32 v3, v4  }
0x30: {  	v4 =	vperm.xlane v3, v0;
	_ =	sdelay $0x1  }
0x31: {  	v4 =	vadd.s32 v1, v4;
	_ =	sdelay $0x1  }
0x32: {  	v3 =	vperm.xlane v3, v2;
	_ =	sdelay $0x1  }
0x33: {  	s0 =	rddreg [dreg:$0x8];
	v3 =	vadd.s32 v1, v3  }
0x34: {  	[tilespmem:s0], [sflag:$0x1] =	stream.indirect_vreg.gather [hbm4b:s3+s2], $0x80, v4, vm0, $0xb8;
	[tilespmem:$0xC080] =	vst v63  }
0x35: {  	s8 =	rddreg [dreg:$0x9]  }
0x36: {  	[tilespmem:s8], [sflag:$0x1] =	stream.indirect_vreg.gather [hbm4b:s4+s2], $0x80, v4, vm1, $0xb8;
	[tilespmem:$0xC080] =	vst v63  }
0x37: {  	s0 =	rddreg [dreg:$0xa]  }
0x38: {  	[tilespmem:s0], [sflag:$0x1] =	stream.indirect_vreg.gather [hbm4b:s3+s2], $0x80, v3, vm0, $0xb8;
	[tilespmem:$0xC080] =	vst v63  }
0x39: {  	s8 =	rddreg [dreg:$0xb]  }
0x3a: {  	[tilespmem:s8], [sflag:$0x1] =	stream.indirect_vreg.gather [hbm4b:s4+s2], $0x80, v3, vm1, $0xb8;
	[tilespmem:$0xC080] =	vst v63  }
0x3b: {  	v3 =	vld [tilespmem:$0x20];
	_ =	sdelay $0x4  }
0x3c: {  	v58 =	vshrl.u32 v3, $0x3  }
0x3d: {  	v4 =	vmul.u32 $0x18, v58  }
0x3e: {  	v3 =	vand.u32 $0x7, v3  }
0x3f: {  	v3 =	vor.u32 v3, v4  }
0x40: {  	v4 =	vperm.xlane v3, v0;
	_ =	sdelay $0x1  }
0x41: {  	v4 =	vadd.s32 v1, v4;
	_ =	sdelay $0x1  }
0x42: {  	v3 =	vperm.xlane v3, v2;
	_ =	sdelay $0x1  }
0x43: {  	s8 =	simm.s32 $0x3080;
	v3 =	vadd.s32 v1, v3  }
0x44: {  	[tilespmem:s8], [sflag:$0x1] =	stream.indirect_vreg.gather [hbm4b:s3+s2], $0x80, v4, vm0, $0xb8;
	[tilespmem:$0xC080] =	vst v63  }
0x45: {  	_ = 	snop  }
0x46: {  	[tilespmem:s9], [sflag:$0x1] =	stream.indirect_vreg.gather [hbm4b:s4+s2], $0x80, v4, vm1, $0xb8;
	[tilespmem:$0xC080] =	vst v63  }
0x47: {  	_ = 	snop  }
0x48: {  	[tilespmem:s10], [sflag:$0x1] =	stream.indirect_vreg.gather [hbm4b:s3+s2], $0x80, v3, vm0, $0xb8;
	[tilespmem:$0xC080] =	vst v63  }
0x49: {  	_ = 	snop  }
0x4a: {  	[tilespmem:s11], [sflag:$0x1] =	stream.indirect_vreg.gather [hbm4b:s4+s2], $0x80, v3, vm1, $0xb8;
	[tilespmem:$0xC080] =	vst v63  }
0x4b: {  	v3 =	vld [tilespmem:$0x30];
	_ =	sdelay $0x4  }
0x4c: {  	v59 =	vshrl.u32 v3, $0x3  }
0x4d: {  	v4 =	vmul.u32 $0x18, v59  }
0x4e: {  	v3 =	vand.u32 $0x7, v3  }
0x4f: {  	v3 =	vor.u32 v3, v4  }
0x50: {  	v4 =	vperm.xlane v3, v0;
	_ =	sdelay $0x1  }
0x51: {  	v4 =	vadd.s32 v1, v4;
	_ =	sdelay $0x1  }
0x52: {  	v3 =	vperm.xlane v3, v2;
	_ =	sdelay $0x1  }
0x53: {  	v3 =	vadd.s32 v1, v3  }
0x54: {  	[tilespmem:s12], [sflag:$0x1] =	stream.indirect_vreg.gather [hbm4b:s3+s2], $0x80, v4, vm0, $0xb8;
	[tilespmem:$0xC080] =	vst v63  }
0x55: {  	_ = 	snop  }
0x56: {  	[tilespmem:s13], [sflag:$0x1] =	stream.indirect_vreg.gather [hbm4b:s4+s2], $0x80, v4, vm1, $0xb8;
	[tilespmem:$0xC080] =	vst v63  }
0x57: {  	_ = 	snop  }
0x58: {  	[tilespmem:s14], [sflag:$0x1] =	stream.indirect_vreg.gather [hbm4b:s3+s2], $0x80, v3, vm0, $0xb8;
	[tilespmem:$0xC080] =	vst v63  }
0x59: {  	_ = 	snop  }
0x5a: {  	[tilespmem:s15], [sflag:$0x1] =	stream.indirect_vreg.gather [hbm4b:s4+s2], $0x80, v3, vm1, $0xb8;
	[tilespmem:$0xC080] =	vst v63  }
0x5b: {  	v3 =	vld [tilespmem:$0x40];
	_ =	sdelay $0x4  }
0x5c: {  	v60 =	vshrl.u32 v3, $0x3  }
0x5d: {  	v4 =	vmul.u32 $0x18, v60  }
0x5e: {  	v3 =	vand.u32 $0x7, v3  }
0x5f: {  	v3 =	vor.u32 v3, v4  }
0x60: {  	v4 =	vperm.xlane v3, v0;
	_ =	sdelay $0x1  }
0x61: {  	v4 =	vadd.s32 v1, v4;
	_ =	sdelay $0x1  }
0x62: {  	v3 =	vperm.xlane v3, v2;
	_ =	sdelay $0x1  }
0x63: {  	v3 =	vadd.s32 v1, v3  }
0x64: {  	[tilespmem:s16], [sflag:$0x1] =	stream.indirect_vreg.gather [hbm4b:s3+s2], $0x80, v4, vm0, $0xb8;
	[tilespmem:$0xC080] =	vst v63  }
0x65: {  	_ = 	snop  }
0x66: {  	[tilespmem:s17], [sflag:$0x1] =	stream.indirect_vreg.gather [hbm4b:s4+s2], $0x80, v4, vm1, $0xb8;
	[tilespmem:$0xC080] =	vst v63  }
0x67: {  	_ = 	snop  }
0x68: {  	[tilespmem:s18], [sflag:$0x1] =	stream.indirect_vreg.gather [hbm4b:s3+s2], $0x80, v3, vm0, $0xb8;
	[tilespmem:$0xC080] =	vst v63  }
0x69: {  	_ = 	snop  }
0x6a: {  	[tilespmem:s19], [sflag:$0x1] =	stream.indirect_vreg.gather [hbm4b:s4+s2], $0x80, v3, vm1, $0xb8;
	[tilespmem:$0xC080] =	vst v63  }
0x6b: {  	v3 =	vld [tilespmem:$0x50];
	_ =	sdelay $0x4  }
0x6c: {  	v61 =	vshrl.u32 v3, $0x3  }
0x6d: {  	v4 =	vmul.u32 $0x18, v61  }
0x6e: {  	v3 =	vand.u32 $0x7, v3  }
0x6f: {  	v3 =	vor.u32 v3, v4  }
0x70: {  	v4 =	vperm.xlane v3, v0;
	_ =	sdelay $0x1  }
0x71: {  	v4 =	vadd.s32 v1, v4;
	_ =	sdelay $0x1  }
0x72: {  	v3 =	vperm.xlane v3, v2;
	_ =	sdelay $0x1  }
0x73: {  	v3 =	vadd.s32 v1, v3  }
0x74: {  	[tilespmem:s20], [sflag:$0x1] =	stream.indirect_vreg.gather [hbm4b:s3+s2], $0x80, v4, vm0, $0xb8;
	[tilespmem:$0xC080] =	vst v63  }
0x75: {  	_ = 	snop  }
0x76: {  	[tilespmem:s21], [sflag:$0x1] =	stream.indirect_vreg.gather [hbm4b:s4+s2], $0x80, v4, vm1, $0xb8;
	[tilespmem:$0xC080] =	vst v63  }
0x77: {  	_ = 	snop  }
0x78: {  	[tilespmem:s22], [sflag:$0x1] =	stream.indirect_vreg.gather [hbm4b:s3+s2], $0x80, v3, vm0, $0xb8;
	[tilespmem:$0xC080] =	vst v63  }
0x79: {  	_ = 	snop  }
0x7a: {  	[tilespmem:s23], [sflag:$0x1] =	stream.indirect_vreg.gather [hbm4b:s4+s2], $0x80, v3, vm1, $0xb8;
	[tilespmem:$0xC080] =	vst v63  }
0x7b: {  	v3 =	vld [tilespmem:$0x60];
	_ =	sdelay $0x4  }
0x7c: {  	v62 =	vshrl.u32 v3, $0x3  }
0x7d: {  	v4 =	vmul.u32 $0x18, v62  }
0x7e: {  	v3 =	vand.u32 $0x7, v3  }
0x7f: {  	v3 =	vor.u32 v3, v4  }
0x80: {  	v4 =	vperm.xlane v3, v0;
	_ =	sdelay $0x1  }
0x81: {  	v4 =	vadd.s32 v1, v4;
	_ =	sdelay $0x1  }
0x82: {  	v3 =	vperm.xlane v3, v2;
	_ =	sdelay $0x1  }
0x83: {  	v3 =	vadd.s32 v1, v3  }
0x84: {  	[tilespmem:s24], [sflag:$0x1] =	stream.indirect_vreg.gather [hbm4b:s3+s2], $0x80, v4, vm0, $0xb8;
	[tilespmem:$0xC080] =	vst v63  }
0x85: {  	_ = 	snop  }
0x86: {  	[tilespmem:s25], [sflag:$0x1] =	stream.indirect_vreg.gather [hbm4b:s4+s2], $0x80, v4, vm1, $0xb8;
	[tilespmem:$0xC080] =	vst v63  }
0x87: {  	_ = 	snop  }
0x88: {  	[tilespmem:s26], [sflag:$0x1] =	stream.indirect_vreg.gather [hbm4b:s3+s2], $0x80, v3, vm0, $0xb8;
	[tilespmem:$0xC080] =	vst v63  }
0x89: {  	_ = 	snop  }
0x8a: {  	[tilespmem:s28], [sflag:$0x1] =	stream.indirect_vreg.gather [hbm4b:s4+s2], $0x80, v3, vm1, $0xb8;
	[tilespmem:$0xC080] =	vst v63  }
0x8b: {  	v3 =	vld [tilespmem:$0x70];
	_ =	sdelay $0x4  }
0x8c: {  	v63 =	vshrl.u32 v3, $0x3  }
0x8d: {  	v4 =	vmul.u32 $0x18, v63  }
0x8e: {  	v3 =	vand.u32 $0x7, v3  }
0x8f: {  	v3 =	vor.u32 v3, v4  }
0x90: {  	v4 =	vperm.xlane v3, v0;
	_ =	sdelay $0x1  }
0x91: {  	v4 =	vadd.s32 v1, v4;
	_ =	sdelay $0x1  }
0x92: {  	v3 =	vperm.xlane v3, v2;
	_ =	sdelay $0x1  }
0x93: {  	v3 =	vadd.s32 v1, v3  }
0x94: {  	[tilespmem:s29], [sflag:$0x1] =	stream.indirect_vreg.gather [hbm4b:s3+s2], $0x80, v4, vm0, $0xb8;
	[tilespmem:$0xC080] =	vst v63  }
0x95: {  	_ = 	snop  }
0x96: {  	[tilespmem:s30], [sflag:$0x1] =	stream.indirect_vreg.gather [hbm4b:s4+s2], $0x80, v4, vm1, $0xb8;
	[tilespmem:$0xC080] =	vst v63  }
0x97: {  	_ = 	snop  }
0x98: {  	[tilespmem:s31], [sflag:$0x1] =	stream.indirect_vreg.gather [hbm4b:s3+s2], $0x80, v3, vm0, $0xb8;
	[tilespmem:$0xC080] =	vst v63  }
0x99: {  	_ = 	snop  }
0x9a: {  	[tilespmem:s1], [sflag:$0x1] =	stream.indirect_vreg.gather [hbm4b:s4+s2], $0x80, v3, vm1, $0xb8;
	[tilespmem:$0xC080] =	vst v63  }
0x9b: {  	_ =	swait.ge [sflag:s6], $0xC000  }
0x9c: {  	p0 =	sne.s32 s5, $0x1;
	[sflag:s6] =	ssyncset.done $0x0  }
.Ltmp0:
0x9d: {  	s8 =	rddreg [dreg:$0x4];
	[sflag:s6] =	ssyncadd.s32 $0xFFFF4000;
	(pc) =	sbr.rel @p0 .LBB2_1-.Ltmp0, $4  }
0x9e: {  	[hbm4b:s8+s2] =	stream.linear.scatter [tilespmem:s7], [sflag:$0x1], $0xC000, $0x38;
	[tilespmem:$0xC080] =	vst v63  }
0x9f: {  	_ =	swait.ge [sflag:s6], $0xC000  }
0xa0: {  	[sflag:s6] =	ssyncset.done $0x0  }
0xa1: {  	s5 =	sadd.s32 $0xFFFFFFFF, s5;
	[sflag:s6] =	ssyncadd.s32 $0xFFFF4000  }
0xa2: {  	_ =	sfence.sel $0x180000  }
0xa3: {  	[bflag:$0x0] =	sbarrier.arrive $0xFFFF  }
0xa4: {  	_ =	strace $0x9000004A  }
0xa5: {  	s0 =	stileid.u32;
	[bflag:$0x2] =	sbarrier.arrive $0xFFFF  }
0xa6: {  	p0 =	sne.s32 s0, $0x0;
	s0 =	rddreg [dreg:$0x2]  }
0xa7: {  	s0 =	sadd.s32 @!p0 $0x100000, s0  }
0xa8: {  	[sflag:s0] =	ssyncadd.tile.s32 @!p0 $0x1;
	_ =	shalt  }
.Lfunc_end2:
_tile_overlayer_lowered:
.L_overlay_start_2:
0xa9: {  	(tag) =	ssettag $0x2  }
0xaa: {  	s0 =	rddreg [dreg:$0x0];
	s2 =	stileid.u32  }
0xab: {  	s1 =	rddreg [dreg:$0x1];
	p0 =	sne.s32 s2, $0x0  }
0xac: {  	s3 =	rddreg [dreg:$0x2];
	[bflag:$0x3] =	sbarrier.arrive $0xFFFF;
	s2 =	simm.s32 @!p0 $0x1C01  }
0xad: {  	[timem:s3], [sflag:s2] =	dma.local @!p0 [hbm:s0], s1  }
0xae: {  	s0 =	simm.s32 @!p0 $0x1  }
0xaf: {  	_ =	swait.ge @!p0 [sflag:s0], s1  }
0xb0: {  	s1 =	ssub.s32 @!p0 $0x0, s1;
	[sflag:s0] =	ssyncset.done @!p0 $0x0  }
0xb1: {  	[sflag:s0] =	ssyncadd.s32 @!p0 s1  }
0xb2: {  	[bflag:$0x3] =	sbarrier.arrive $0xFFFF  }
0xb3: {  	_ =	shalt  }

// kernel: kernel.7.cloned.1.call-start
scs
__scs_entry_jumppad:
0x0: {  	(pc) =	sbr.rel $0x88, $3  }
0x1: {  	(tag) =	ssettag $0x0;
	lr =	simm.s32 $0x1  }
0x2: {  	[smem:$0x3F9B] =	sst lr;
	_ =	strace $0xD0000000  }
0x3: {  	_ = 	snop  }
0x4: {  	_ = 	snop  }
0x5: {  	_ = 	snop  }
0x6: {  	_ = 	snop  }
0x7: {  	_ = 	snop  }
__scs_overlays_trampoline_lowered:
0x8: {  	[smem:$0x3FAA] =	sst s0  }
0x9: {  	[smem:$0x3FAB] =	sst s1  }
0xa: {  	[smem:$0x3FAC] =	sst s2  }
0xb: {  	[smem:$0x3FAD] =	sst s3  }
0xc: {  	[smem:$0x3FAE] =	sst s4  }
0xd: {  	[smem:$0x3FAF] =	sst s5  }
0xe: {  	[smem:$0x3FB0] =	sst s6  }
0xf: {  	[smem:$0x3FB1] =	sst s7  }
0x10: {  	[smem:$0x3FB2] =	sst s8  }
0x11: {  	[smem:$0x3FB3] =	sst s9;
	s0 =	simm.s32 @!p0 $0x0  }
0x12: {  	s1 =	sld [smem:$0x3F99];
	s0 =	simm.s32 @p0 $0x1  }
0x13: {  	[smem:$0x3FB4] =	sst s0;
	s0 =	simm.s32 @!p1 $0x0  }
0x14: {  	s2 =	sld [smem:$0x3F98];
	s0 =	simm.s32 @p1 $0x1  }
0x15: {  	[smem:$0x3FB5] =	sst s0;
	s0 =	simm.s32 @!p2 $0x0  }
0x16: {  	s3 =	sld [smem:$0x3FDB];
	s0 =	simm.s32 @p2 $0x1  }
0x17: {  	s4 =	simm.s32 $0x1BF5;
	[smem:$0x3FB7] =	sst s0  }
0x18: {  	s0 =	sld [smem:$0x3F9A];
	_ =	swait.ge [sflag:s4], $0x0  }
0x19: {  	s7 =	sld [smem:$0x3F9B]  }
0x1a: {  	s8 =	sadd.s32 $0xFFFFE003, lr  }
0x1b: {  	s9 =	sadd.s32 $0xFFFFFEF7, lr;
	s5 =	simm.s32 $0xFFFFFFFF;
	p2 =	slt.u32 s8, $0xFFFFF086  }
0x1c: {  	p1 =	slt.u32 s9, $0xF7A;
	s5 =	simm.s32 @!p2 $0x0  }
0x1d: {  	s5 =	simm.s32 @p1 $0x1;
	p0 =	seq.s32 s7, s2  }
0x1e: {  	s7 =	smul.u32 @!p0 $0xF7A, s2;
	p2 =	seq.s32 @!p0 s5, $0x0  }
0x1f: {  	s9 =	smul.u32 $0xF7A, s1;
	s8 =	simm.s32 @!p0 $0x1BF5;
	p2 =	por !p2, p0  }
0x20: {  	[sflag:s8] =	ssyncset.s32 @!p0 $0xFFFFF086;
	s6 =	sadd.s32 @!p0 s3, s7;
	s7 =	simm.s32 @!p0 $0x108  }
0x21: {  	s3 =	sadd.s32 s3, s9;
	s6 =	sadd.s32 @!p0 $0x88, s6;
	s7 =	simm.s32 @p2 $0x1082  }
0x22: {  	[simem:s7], [sflag:s8] =	dma.local @!p0 [hbm:s6], $0xF7A  }
0x23: {  	s9 =	sor.u32 $0xD0000000, s2;
	s6 =	simm.s32 $0x108;
	_ =	swait.ge @!p0 [sflag:s8], $0x0  }
0x24: {  	s3 =	sadd.s32 $0x88, s3;
	s6 =	simm.s32 @!p1 $0x1082;
	[sflag:s4] =	ssyncset.s32 $0xFFFFF086  }
0x25: {  	[simem:s6], [sflag:s4] =	dma.local [hbm:s3], $0xF7A  }
0x26: {  	[smem:$0x3F9B] =	sst s1;
	(tag) =	ssettag s2;
	_ =	strace s9  }
0x27: {  	s1 =	sld [smem:$0x3FAB]  }
0x28: {  	s2 =	sld [smem:$0x3FAC]  }
0x29: {  	s4 =	sld [smem:$0x3FAE]  }
0x2a: {  	p0 =	seq.s32 s5, $0x0;
	s5 =	sld [smem:$0x3FAF]  }
0x2b: {  	s6 =	sld [smem:$0x3FB0]  }
0x2c: {  	s7 =	sld [smem:$0x3FB1]  }
0x2d: {  	s3 =	simm.s32 $0x108;
	s8 =	sld [smem:$0x3FB2]  }
0x2e: {  	s3 =	simm.s32 @!p0 $0x1082;
	s9 =	sld [smem:$0x3FB3]  }
0x2f: {  	lr =	sadd.s32 s0, s3;
	s0 =	sld [smem:$0x3FAA]  }
0x30: {  	s3 =	sld [smem:$0x3FAD]  }
0x31: {  	[smem:$0x3FB6] =	sst s10  }
0x32: {  	s10 =	sld [smem:$0x3FB4];
	_ =	sdelay $0x3  }
0x33: {  	p0 =	seq.s32 s10, $0x1;
	s10 =	sld [smem:$0x3FB6];
	_ =	sdelay $0x3  }
0x34: {  	[smem:$0x3FB6] =	sst s10  }
0x35: {  	s10 =	sld [smem:$0x3FB5];
	_ =	sdelay $0x3  }
0x36: {  	p1 =	seq.s32 s10, $0x1;
	s10 =	sld [smem:$0x3FB6];
	_ =	sdelay $0x3  }
0x37: {  	[smem:$0x3FB6] =	sst s10  }
0x38: {  	s10 =	sld [smem:$0x3FB7]  }
0x39: {  	_ = 	snop;
	(pc) =	sbr.ind lr, $3  }
0x3a: {  	_ = 	snop  }
0x3b: {  	_ = 	snop  }
0x3c: {  	p2 =	seq.s32 s10, $0x1;
	s10 =	sld [smem:$0x3FB6]  }
0x3d: {  	_ =	shalt  }
0x3e: {  	_ =	shalt  }
0x3f: {  	_ =	shalt  }
0x40: {  	_ =	shalt  }
0x41: {  	_ =	shalt  }
0x42: {  	_ =	shalt  }
0x43: {  	_ =	shalt  }
0x44: {  	_ =	shalt  }
0x45: {  	_ =	shalt  }
0x46: {  	_ =	shalt  }
0x47: {  	_ =	shalt  }
0x48: {  	_ =	shalt  }
0x49: {  	_ =	shalt  }
0x4a: {  	_ =	shalt  }
0x4b: {  	_ =	shalt  }
0x4c: {  	_ =	shalt  }
0x4d: {  	_ =	shalt  }
0x4e: {  	_ =	shalt  }
0x4f: {  	_ =	shalt  }
0x50: {  	_ =	shalt  }
0x51: {  	_ =	shalt  }
0x52: {  	_ =	shalt  }
0x53: {  	_ =	shalt  }
0x54: {  	_ =	shalt  }
0x55: {  	_ =	shalt  }
0x56: {  	_ =	shalt  }
0x57: {  	_ =	shalt  }
0x58: {  	_ =	shalt  }
0x59: {  	_ =	shalt  }
0x5a: {  	_ =	shalt  }
0x5b: {  	_ =	shalt  }
0x5c: {  	_ =	shalt  }
0x5d: {  	_ =	shalt  }
0x5e: {  	_ =	shalt  }
0x5f: {  	_ =	shalt  }
0x60: {  	_ =	shalt  }
0x61: {  	_ =	shalt  }
0x62: {  	_ =	shalt  }
0x63: {  	_ =	shalt  }
0x64: {  	_ =	shalt  }
0x65: {  	_ =	shalt  }
0x66: {  	_ =	shalt  }
0x67: {  	_ =	shalt  }
0x68: {  	_ =	shalt  }
0x69: {  	_ =	shalt  }
0x6a: {  	_ =	shalt  }
0x6b: {  	_ =	shalt  }
0x6c: {  	_ =	shalt  }
0x6d: {  	_ =	shalt  }
0x6e: {  	_ =	shalt  }
0x6f: {  	_ =	shalt  }
0x70: {  	_ =	shalt  }
0x71: {  	_ =	shalt  }
0x72: {  	_ =	shalt  }
0x73: {  	_ =	shalt  }
0x74: {  	_ =	shalt  }
0x75: {  	_ =	shalt  }
0x76: {  	_ =	shalt  }
0x77: {  	_ =	shalt  }
0x78: {  	_ =	shalt  }
0x79: {  	_ =	shalt  }
0x7a: {  	_ =	shalt  }
0x7b: {  	_ =	shalt  }
0x7c: {  	_ =	shalt  }
0x7d: {  	_ =	shalt  }
0x7e: {  	_ =	shalt  }
0x7f: {  	_ =	shalt  }
0x80: {  	_ =	shalt  }
0x81: {  	_ =	shalt  }
0x82: {  	_ =	shalt  }
0x83: {  	_ =	shalt  }
0x84: {  	_ =	shalt  }
0x85: {  	_ =	shalt  }
0x86: {  	_ =	shalt  }
0x87: {  	_ =	shalt  }
.Lfunc_end0:
.L_simem_size_0:
called_computation_lowered:
.L_overlay_start_0:
0x88: {  	s2 =	sld [smem:$0x3FD9]  }
0x89: {  	s3 =	sld [smem:$0x3FFE];
	_ =	sdelay $0x1  }
0x8a: {  	s1 =	srdreg.scid  }
0x8b: {  	s0 =	sand.u32 $0x1, s1  }
0x8c: {  	s14 =	sshll.u32 s0, $0xA;
	s2 =	sadd.s32 s3, s2  }
0x8d: {  	s2 =	sadd.s32 s2, s14  }
0x8e: {  	[smem:$0x3FC2] =	sst s2  }
0x8f: {  	_ = 	snop  }
0x90: {  	s2 =	sld [smem:$0x3FD0];
	_ =	sdelay $0x2  }
0x91: {  	s15 =	simm.s32 $0xA;
	s4 =	simm.s32 $0x10  }
0x92: {  	[smem:s4], [sflag:s15] =	dma.local [hbm:s2], $0x1  }
0x93: {  	_ =	swait.eq [sflag:s15], $0x1  }
0x94: {  	[sflag:s15] =	ssyncset.done $0x0  }
0x95: {  	[sflag:s15] =	ssyncadd.s32 $0xFFFFFFFF  }
0x96: {  	s16 =	sld [smem:$0x10];
	(tm) =	ssettm $0x1  }
0x97: {  	s17 =	sld [smem:$0x3FFB];
	_ =	sdelay $0x3  }
0x98: {  	_ =	strace s17  }
0x99: {  	s3 =	sld [smem:$0x3FFC];
	_ =	sdelay $0x3  }
0x9a: {  	_ =	strace s3  }
0x9b: {  	s3 =	sld [smem:$0x3FFD];
	_ =	sdelay $0x3  }
0x9c: {  	_ =	strace s3  }
0x9d: {  	_ =	strace $0x8FFFFFFF  }
0x9e: {  	s18 =	sld [smem:$0x3FDB];
	_ =	sdelay $0x1  }
0x9f: {  	s19 =	simm.s32 $_scs_section_size  }
0xa0: {  	s5 =	simm.s32 $_size__tile_overlayer_lowered;
	s6 =	simm.s32 $_tile_overlayer_lowered  }
0xa1: {  	s22 =	simm.s32 $0x1BFF;
	s21 =	sshll.u32 s6, $0x1;
	s3 =	sadd.s32 s19, s18  }
0xa2: {  	s7 =	simm.s32 $0x0;
	s20 =	sshll.u32 s5, $0x1;
	s5 =	sadd.s32 s21, s3  }
0xa3: {  	[timem:s7], [sflag:s22] =	dma.local [hbm:s5], s20  }
0xa4: {  	_ =	swait.ge [sflag:s22], s20  }
0xa5: {  	s4 =	ssub.s32 $0x0, s20;
	[sflag:s22] =	ssyncset.done $0x0  }
0xa6: {  	[sflag:s22] =	ssyncadd.s32 s4;
	_ =	sdelay $0x1  }
0xa7: {  	s23 =	simm.s32 $0x1B8B  }
0xa8: {  	_ =	swait.ge [sflag:s23], $0x1  }
0xa9: {  	[sflag:s23] =	ssyncset.done $0x0  }
0xaa: {  	s25 =	simm.s32 $0x1B8E;
	s24 =	sld [smem:$0x3FFE];
	[sflag:s23] =	ssyncadd.s32 $0xFFFFFFFF  }
0xab: {  	s26 =	simm.s32 $execute0_lowered;
	[smem:$0x3FD2] =	sst s25  }
0xac: {  	s5 =	sshll.u32 s26, $0x1;
	_ =	strace $0x80000046;
	[dreg:$0x1] =	wrdreg $0xFFFFFFFF  }
0xad: {  	s28 =	simm.s32 $_size_execute0_lowered;
	s3 =	sadd.s32 s3, s5;
	[dreg:$0x0] =	wrdreg $0x0  }
0xae: {  	s5 =	sshll.u32 s28, $0x1;
	[dreg:$0x2] =	wrdreg s3  }
0xaf: {  	[dreg:$0x3] =	wrdreg s5  }
0xb0: {  	[dreg:$0x4] =	wrdreg $0xC0  }
0xb1: {  	_ =	task [dreg:s7], $0x5FFFF  }
0xb2: {  	[dreg:$0x1] =	wrdreg $0xFFFFFFFF  }
0xb3: {  	[dreg:$0x0] =	wrdreg $0x60  }
0xb4: {  	[dreg:$0x2] =	wrdreg s16  }
0xb5: {  	[dreg:$0x3] =	wrdreg s24  }
0xb6: {  	[dreg:$0x4] =	wrdreg $0x9  }
0xb7: {  	_ =	task.clear_ibuf [dreg:s7], $0x5FFFF;
	_ =	strace $0x90000046  }
0xb8: {  	s29 =	simm.s32 $0x9;
	_ =	strace $0x80000048  }
0xb9: {  	_ =	swait.ge [sflag:s29], $0x1  }
0xba: {  	[sflag:s29] =	ssyncadd.s32 $0xFFFFFFFF  }
0xbb: {  	_ =	strace $0x90000048  }
0xbc: {  	_ =	sfence  }
0xbd: {  	s30 =	sld [smem:$0x0];
	_ =	sdelay $0x2  }
0xbe: {  	s31 =	sshll.u32 s1, $0xD;
	s1 =	sshrl.u32 s1, $0x2  }
0xbf: {  	s3 =	sand.u32 $0x4000, s31;
	s1 =	sadd.s32 s1, s30  }
0xc0: {  	s0 =	sor.u32 s3, s0;
	s1 =	sshll.u32 s1, $0x11  }
0xc1: {  	s0 =	sor.u32 s1, s0  }
0xc2: {  	s0 =	sadd.s32 $0x8F2B, s0  }
0xc3: {  	[sflag:s0] =	ssyncadd.remote.s32 $0x1  }
0xc4: {  	_ =	sfence.sel $0xFFFF  }
0xc5: {  	[dreg:$0x0] =	wrdreg $0xFFFFFFFF;
	(pc) =	sbr.abs _section_cstart, $3  }
0xc6: {  	[dreg:$0x1] =	wrdreg $0xFFFFFFFF  }
0xc7: {  	_ =	task.clear_ibuf [dreg:s7], $0x2FFFF;
	_ =	strace $0x9FFFFFFF  }
0xc8: {  	(tm) =	ssettm $0x7FFFFFFF  }
0xc9: {  	_ =	shalt  }
tec
execute0_lowered:
.L_overlay_start_1:
0x0: {  	(tag) =	ssettag $0x1  }
0x1: {  	s1 =	srdreg.scid  }
0x2: {  	s0 =	stileid.u32;
	s4 =	rddreg [dreg:$0x0]  }
0x3: {  	s5 =	rddreg [dreg:$0x1];
	s19 =	simm.s32 $0x880;
	s20 =	simm.s32 $0xC80  }
0x4: {  	s21 =	simm.s32 $0x1480;
	s23 =	simm.s32 $0x1880;
	s24 =	simm.s32 $0x2080  }
0x5: {  	s25 =	simm.s32 $0x2480;
	s26 =	simm.s32 $0x2C80;
	s7 =	simm.s32 $0x1  }
0x6: {  	s9 =	simm.s32 $0x3880;
	s10 =	simm.s32 $0x3C80;
	s11 =	simm.s32 $0x4480  }
0x7: {  	s12 =	simm.s32 $0x4880;
	s13 =	simm.s32 $0x5080;
	s1 =	sand.u32 $0x1, s1  }
0x8: {  	s14 =	simm.s32 $0x5480;
	s2 =	sshll.u32 s0, $0x5;
	s3 =	sshll.u32 s1, $0x4  }
0x9: {  	s15 =	simm.s32 $0x5C80;
	s3 =	sor.u32 s3, s2;
	s2 =	simm.s32 $0x0  }
0xa: {  	s16 =	simm.s32 $0x6080;
	s17 =	simm.s32 $0x6880;
	[smem:$0x7FF] =	sst s2  }
0xb: {  	s18 =	simm.s32 $0x6C80;
	_ =	strace $0x80000047;
	[dreg:$0x5] =	wrdreg s19  }
0xc: {  	s28 =	simm.s32 $0xA480;
	s29 =	simm.s32 $0xA880;
	[dreg:$0x6] =	wrdreg s20  }
0xd: {  	s30 =	simm.s32 $0xB080;
	s1 =	ssub.s32 $0x2, s1;
	[dreg:$0x7] =	wrdreg s21  }
0xe: {  	s31 =	simm.s32 $0xB480;
	s22 =	sshrl.u32 s1, $0x1;
	[dreg:$0x8] =	wrdreg s23  }
0xf: {  	s6 =	sand.u32 $0xF0, s3;
	s3 =	sadd.s32 s3, s5;
	[dreg:$0x9] =	wrdreg s24  }
0x10: {  	s1 =	ssub.s32 s1, s22;
	s22 =	simm.s32 $0x8480;
	[dreg:$0xa] =	wrdreg s25  }
0x11: {  	s6 =	smul.u32 $0x180, s6;
	s3 =	sadd.s32 $0x9400, s3;
	[dreg:$0xb] =	wrdreg s26  }
0x12: {  	s19 =	simm.s32 $0x7480;
	s20 =	simm.s32 $0x7880;
	s21 =	simm.s32 $0x8080  }
0x13: {  	s23 =	simm.s32 $0x8C80;
	s24 =	simm.s32 $0x9080;
	s25 =	simm.s32 $0x9880  }
0x14: {  	v2 =	vlaneseq.u32;
	s26 =	simm.s32 $0x9C80;
	[dreg:$0x4] =	wrdreg s3;
	s4 =	sadd.s32 s4, s6  }
0x15: {  	vm0 =	vmmov $0xffff;
	vm1 =	vmmov $0xff;
	v1 =	vshrl.u32 v2, $0x3;
	s3 =	sadd.s32 $0x9600, s5;
	s6 =	simm.s32 $0x80;
	[dreg:$0x3] =	wrdreg s4  }
0x16: {  	v0 =	vand.u32 $0x7, v2;
	v2 =	vor.u32 $0x8, v2;
	v1 =	vmul.u32 $0x8, v1;
	s4 =	sadd.s32 $0x9700, s5;
	s5 =	smax.u32 s1, $0x1;
	s1 =	simm.s32 $0xBC80  }
.LBB2_1:
0x17: {  	s0 =	rddreg [dreg:$0x3]  }
0x18: {  	[tilespmem:s6], [sflag:$0x1] =	stream.linear.gather [hbm4b:s0+s2], $0xC000, $0x38;
	[tilespmem:$0xC080] =	vst v63  }
0x19: {  	_ =	swait.ge [sflag:s7], $0xC000  }
0x1a: {  	[sflag:s7] =	ssyncset.done $0x0  }
0x1b: {  	s8 =	rddreg [dreg:$0x4];
	[sflag:s7] =	ssyncadd.s32 $0xFFFF4000  }
0x1c: {  	[tilespmem:s2], [sflag:$0x1] =	stream.linear.gather [hbm4b:s8+s2], $0x80, $0x38;
	[tilespmem:$0xC080] =	vst v63  }
0x1d: {  	_ =	swait.ge [sflag:s7], $0x80  }
0x1e: {  	[sflag:s7] =	ssyncset.done $0x0  }
0x1f: {  	[sflag:s7] =	ssyncadd.s32 $0xFFFFFF80  }
0x20: {  	v3 =	vld [tilespmem:$0x0];
	_ =	sdelay $0x4  }
0x21: {  	v4 =	vshrl.u32 v3, $0x3  }
0x22: {  	v4 =	vmul.u32 $0x18, v4  }
0x23: {  	v3 =	vand.u32 $0x7, v3  }
0x24: {  	v3 =	vor.u32 v3, v4  }
0x25: {  	v4 =	vperm.xlane v3, v0;
	_ =	sdelay $0x1  }
0x26: {  	v4 =	vadd.s32 v1, v4;
	_ =	sdelay $0x1  }
0x27: {  	v3 =	vperm.xlane v3, v2;
	_ =	sdelay $0x1  }
0x28: {  	v3 =	vadd.s32 v1, v3  }
0x29: {  	[hbm4b:s3+s2] =	stream.indirect_vreg.scatter [tilespmem:s6], [sflag:$0x1], $0x80, v4, vm0, $0xb8;
	[tilespmem:$0xC080] =	vst v63  }
0x2a: {  	s0 =	rddreg [dreg:$0x5]  }
0x2b: {  	[hbm4b:s4+s2] =	stream.indirect_vreg.scatter [tilespmem:s0], [sflag:$0x1], $0x80, v4, vm1, $0xb8;
	[tilespmem:$0xC080] =	vst v63  }
0x2c: {  	s8 =	rddreg [dreg:$0x6]  }
0x2d: {  	[hbm4b:s3+s2] =	stream.indirect_vreg.scatter [tilespmem:s8], [sflag:$0x1], $0x80, v3, vm0, $0xb8;
	[tilespmem:$0xC080] =	vst v63  }
0x2e: {  	s0 =	rddreg [dreg:$0x7]  }
0x2f: {  	[hbm4b:s4+s2] =	stream.indirect_vreg.scatter [tilespmem:s0], [sflag:$0x1], $0x80, v3, vm1, $0xb8;
	[tilespmem:$0xC080] =	vst v63  }
0x30: {  	v3 =	vld [tilespmem:$0x10];
	_ =	sdelay $0x4  }
0x31: {  	v57 =	vshrl.u32 v3, $0x3  }
0x32: {  	v4 =	vmul.u32 $0x18, v57  }
0x33: {  	v3 =	vand.u32 $0x7, v3  }
0x34: {  	v3 =	vor.u32 v3, v4  }
0x35: {  	v4 =	vperm.xlane v3, v0;
	_ =	sdelay $0x1  }
0x36: {  	v4 =	vadd.s32 v1, v4;
	_ =	sdelay $0x1  }
0x37: {  	v3 =	vperm.xlane v3, v2;
	_ =	sdelay $0x1  }
0x38: {  	s0 =	rddreg [dreg:$0x8];
	v3 =	vadd.s32 v1, v3  }
0x39: {  	[hbm4b:s3+s2] =	stream.indirect_vreg.scatter [tilespmem:s0], [sflag:$0x1], $0x80, v4, vm0, $0xb8;
	[tilespmem:$0xC080] =	vst v63  }
0x3a: {  	s8 =	rddreg [dreg:$0x9]  }
0x3b: {  	[hbm4b:s4+s2] =	stream.indirect_vreg.scatter [tilespmem:s8], [sflag:$0x1], $0x80, v4, vm1, $0xb8;
	[tilespmem:$0xC080] =	vst v63  }
0x3c: {  	s0 =	rddreg [dreg:$0xa]  }
0x3d: {  	[hbm4b:s3+s2] =	stream.indirect_vreg.scatter [tilespmem:s0], [sflag:$0x1], $0x80, v3, vm0, $0xb8;
	[tilespmem:$0xC080] =	vst v63  }
0x3e: {  	s8 =	rddreg [dreg:$0xb]  }
0x3f: {  	[hbm4b:s4+s2] =	stream.indirect_vreg.scatter [tilespmem:s8], [sflag:$0x1], $0x80, v3, vm1, $0xb8;
	[tilespmem:$0xC080] =	vst v63  }
0x40: {  	v3 =	vld [tilespmem:$0x20];
	_ =	sdelay $0x4  }
0x41: {  	v58 =	vshrl.u32 v3, $0x3  }
0x42: {  	v4 =	vmul.u32 $0x18, v58  }
0x43: {  	v3 =	vand.u32 $0x7, v3  }
0x44: {  	v3 =	vor.u32 v3, v4  }
0x45: {  	v4 =	vperm.xlane v3, v0;
	_ =	sdelay $0x1  }
0x46: {  	v4 =	vadd.s32 v1, v4;
	_ =	sdelay $0x1  }
0x47: {  	v3 =	vperm.xlane v3, v2;
	_ =	sdelay $0x1  }
0x48: {  	s8 =	simm.s32 $0x3080;
	v3 =	vadd.s32 v1, v3  }
0x49: {  	[hbm4b:s3+s2] =	stream.indirect_vreg.scatter [tilespmem:s8], [sflag:$0x1], $0x80, v4, vm0, $0xb8;
	[tilespmem:$0xC080] =	vst v63  }
0x4a: {  	_ = 	snop  }
0x4b: {  	[hbm4b:s4+s2] =	stream.indirect_vreg.scatter [tilespmem:s9], [sflag:$0x1], $0x80, v4, vm1, $0xb8;
	[tilespmem:$0xC080] =	vst v63  }
0x4c: {  	_ = 	snop  }
0x4d: {  	[hbm4b:s3+s2] =	stream.indirect_vreg.scatter [tilespmem:s10], [sflag:$0x1], $0x80, v3, vm0, $0xb8;
	[tilespmem:$0xC080] =	vst v63  }
0x4e: {  	_ = 	snop  }
0x4f: {  	[hbm4b:s4+s2] =	stream.indirect_vreg.scatter [tilespmem:s11], [sflag:$0x1], $0x80, v3, vm1, $0xb8;
	[tilespmem:$0xC080] =	vst v63  }
0x50: {  	v3 =	vld [tilespmem:$0x30];
	_ =	sdelay $0x4  }
0x51: {  	v59 =	vshrl.u32 v3, $0x3  }
0x52: {  	v4 =	vmul.u32 $0x18, v59  }
0x53: {  	v3 =	vand.u32 $0x7, v3  }
0x54: {  	v3 =	vor.u32 v3, v4  }
0x55: {  	v4 =	vperm.xlane v3, v0;
	_ =	sdelay $0x1  }
0x56: {  	v4 =	vadd.s32 v1, v4;
	_ =	sdelay $0x1  }
0x57: {  	v3 =	vperm.xlane v3, v2;
	_ =	sdelay $0x1  }
0x58: {  	v3 =	vadd.s32 v1, v3  }
0x59: {  	[hbm4b:s3+s2] =	stream.indirect_vreg.scatter [tilespmem:s12], [sflag:$0x1], $0x80, v4, vm0, $0xb8;
	[tilespmem:$0xC080] =	vst v63  }
0x5a: {  	_ = 	snop  }
0x5b: {  	[hbm4b:s4+s2] =	stream.indirect_vreg.scatter [tilespmem:s13], [sflag:$0x1], $0x80, v4, vm1, $0xb8;
	[tilespmem:$0xC080] =	vst v63  }
0x5c: {  	_ = 	snop  }
0x5d: {  	[hbm4b:s3+s2] =	stream.indirect_vreg.scatter [tilespmem:s14], [sflag:$0x1], $0x80, v3, vm0, $0xb8;
	[tilespmem:$0xC080] =	vst v63  }
0x5e: {  	_ = 	snop  }
0x5f: {  	[hbm4b:s4+s2] =	stream.indirect_vreg.scatter [tilespmem:s15], [sflag:$0x1], $0x80, v3, vm1, $0xb8;
	[tilespmem:$0xC080] =	vst v63  }
0x60: {  	v3 =	vld [tilespmem:$0x40];
	_ =	sdelay $0x4  }
0x61: {  	v60 =	vshrl.u32 v3, $0x3  }
0x62: {  	v4 =	vmul.u32 $0x18, v60  }
0x63: {  	v3 =	vand.u32 $0x7, v3  }
0x64: {  	v3 =	vor.u32 v3, v4  }
0x65: {  	v4 =	vperm.xlane v3, v0;
	_ =	sdelay $0x1  }
0x66: {  	v4 =	vadd.s32 v1, v4;
	_ =	sdelay $0x1  }
0x67: {  	v3 =	vperm.xlane v3, v2;
	_ =	sdelay $0x1  }
0x68: {  	v3 =	vadd.s32 v1, v3  }
0x69: {  	[hbm4b:s3+s2] =	stream.indirect_vreg.scatter [tilespmem:s16], [sflag:$0x1], $0x80, v4, vm0, $0xb8;
	[tilespmem:$0xC080] =	vst v63  }
0x6a: {  	_ = 	snop  }
0x6b: {  	[hbm4b:s4+s2] =	stream.indirect_vreg.scatter [tilespmem:s17], [sflag:$0x1], $0x80, v4, vm1, $0xb8;
	[tilespmem:$0xC080] =	vst v63  }
0x6c: {  	_ = 	snop  }
0x6d: {  	[hbm4b:s3+s2] =	stream.indirect_vreg.scatter [tilespmem:s18], [sflag:$0x1], $0x80, v3, vm0, $0xb8;
	[tilespmem:$0xC080] =	vst v63  }
0x6e: {  	_ = 	snop  }
0x6f: {  	[hbm4b:s4+s2] =	stream.indirect_vreg.scatter [tilespmem:s19], [sflag:$0x1], $0x80, v3, vm1, $0xb8;
	[tilespmem:$0xC080] =	vst v63  }
0x70: {  	v3 =	vld [tilespmem:$0x50];
	_ =	sdelay $0x4  }
0x71: {  	v61 =	vshrl.u32 v3, $0x3  }
0x72: {  	v4 =	vmul.u32 $0x18, v61  }
0x73: {  	v3 =	vand.u32 $0x7, v3  }
0x74: {  	v3 =	vor.u32 v3, v4  }
0x75: {  	v4 =	vperm.xlane v3, v0;
	_ =	sdelay $0x1  }
0x76: {  	v4 =	vadd.s32 v1, v4;
	_ =	sdelay $0x1  }
0x77: {  	v3 =	vperm.xlane v3, v2;
	_ =	sdelay $0x1  }
0x78: {  	v3 =	vadd.s32 v1, v3  }
0x79: {  	[hbm4b:s3+s2] =	stream.indirect_vreg.scatter [tilespmem:s20], [sflag:$0x1], $0x80, v4, vm0, $0xb8;
	[tilespmem:$0xC080] =	vst v63  }
0x7a: {  	_ = 	snop  }
0x7b: {  	[hbm4b:s4+s2] =	stream.indirect_vreg.scatter [tilespmem:s21], [sflag:$0x1], $0x80, v4, vm1, $0xb8;
	[tilespmem:$0xC080] =	vst v63  }
0x7c: {  	_ = 	snop  }
0x7d: {  	[hbm4b:s3+s2] =	stream.indirect_vreg.scatter [tilespmem:s22], [sflag:$0x1], $0x80, v3, vm0, $0xb8;
	[tilespmem:$0xC080] =	vst v63  }
0x7e: {  	_ = 	snop  }
0x7f: {  	[hbm4b:s4+s2] =	stream.indirect_vreg.scatter [tilespmem:s23], [sflag:$0x1], $0x80, v3, vm1, $0xb8;
	[tilespmem:$0xC080] =	vst v63  }
0x80: {  	v3 =	vld [tilespmem:$0x60];
	_ =	sdelay $0x4  }
0x81: {  	v62 =	vshrl.u32 v3, $0x3  }
0x82: {  	v4 =	vmul.u32 $0x18, v62  }
0x83: {  	v3 =	vand.u32 $0x7, v3  }
0x84: {  	v3 =	vor.u32 v3, v4  }
0x85: {  	v4 =	vperm.xlane v3, v0;
	_ =	sdelay $0x1  }
0x86: {  	v4 =	vadd.s32 v1, v4;
	_ =	sdelay $0x1  }
0x87: {  	v3 =	vperm.xlane v3, v2;
	_ =	sdelay $0x1  }
0x88: {  	v3 =	vadd.s32 v1, v3  }
0x89: {  	[hbm4b:s3+s2] =	stream.indirect_vreg.scatter [tilespmem:s24], [sflag:$0x1], $0x80, v4, vm0, $0xb8;
	[tilespmem:$0xC080] =	vst v63  }
0x8a: {  	_ = 	snop  }
0x8b: {  	[hbm4b:s4+s2] =	stream.indirect_vreg.scatter [tilespmem:s25], [sflag:$0x1], $0x80, v4, vm1, $0xb8;
	[tilespmem:$0xC080] =	vst v63  }
0x8c: {  	_ = 	snop  }
0x8d: {  	[hbm4b:s3+s2] =	stream.indirect_vreg.scatter [tilespmem:s26], [sflag:$0x1], $0x80, v3, vm0, $0xb8;
	[tilespmem:$0xC080] =	vst v63  }
0x8e: {  	_ = 	snop  }
0x8f: {  	[hbm4b:s4+s2] =	stream.indirect_vreg.scatter [tilespmem:s28], [sflag:$0x1], $0x80, v3, vm1, $0xb8;
	[tilespmem:$0xC080] =	vst v63  }
0x90: {  	v3 =	vld [tilespmem:$0x70];
	_ =	sdelay $0x4  }
0x91: {  	v63 =	vshrl.u32 v3, $0x3  }
0x92: {  	v4 =	vmul.u32 $0x18, v63  }
0x93: {  	v3 =	vand.u32 $0x7, v3  }
0x94: {  	v3 =	vor.u32 v3, v4  }
0x95: {  	v4 =	vperm.xlane v3, v0;
	_ =	sdelay $0x1  }
0x96: {  	v4 =	vadd.s32 v1, v4;
	_ =	sdelay $0x1  }
0x97: {  	v3 =	vperm.xlane v3, v2;
	_ =	sdelay $0x1  }
0x98: {  	v3 =	vadd.s32 v1, v3  }
0x99: {  	[hbm4b:s3+s2] =	stream.indirect_vreg.scatter [tilespmem:s29], [sflag:$0x1], $0x80, v4, vm0, $0xb8;
	[tilespmem:$0xC080] =	vst v63  }
0x9a: {  	_ = 	snop  }
0x9b: {  	[hbm4b:s4+s2] =	stream.indirect_vreg.scatter [tilespmem:s30], [sflag:$0x1], $0x80, v4, vm1, $0xb8;
	[tilespmem:$0xC080] =	vst v63  }
0x9c: {  	p0 =	sne.s32 s5, $0x1  }
0x9d: {  	[hbm4b:s3+s2] =	stream.indirect_vreg.scatter [tilespmem:s31], [sflag:$0x1], $0x80, v3, vm0, $0xb8;
	[tilespmem:$0xC080] =	vst v63  }
.Ltmp0:
0x9e: {  	_ = 	snop;
	(pc) =	sbr.rel @p0 .LBB2_1-.Ltmp0, $4  }
0x9f: {  	[hbm4b:s4+s2] =	stream.indirect_vreg.scatter [tilespmem:s1], [sflag:$0x1], $0x80, v3, vm1, $0xb8;
	[tilespmem:$0xC080] =	vst v63  }
0xa0: {  	_ =	swait.ge [sflag:s7], $0xC000  }
0xa1: {  	[sflag:s7] =	ssyncset.done $0x0  }
0xa2: {  	s5 =	sadd.s32 $0xFFFFFFFF, s5;
	[sflag:s7] =	ssyncadd.s32 $0xFFFF4000  }
0xa3: {  	_ =	sfence.sel $0x180000  }
0xa4: {  	[bflag:$0x0] =	sbarrier.arrive $0xFFFF  }
0xa5: {  	_ =	strace $0x90000047  }
0xa6: {  	s0 =	stileid.u32;
	[bflag:$0x2] =	sbarrier.arrive $0xFFFF  }
0xa7: {  	p0 =	sne.s32 s0, $0x0;
	s0 =	rddreg [dreg:$0x2]  }
0xa8: {  	s0 =	sadd.s32 @!p0 $0x100000, s0  }
0xa9: {  	[sflag:s0] =	ssyncadd.tile.s32 @!p0 $0x1;
	_ =	shalt  }
.Lfunc_end2:
_tile_overlayer_lowered:
.L_overlay_start_2:
0xaa: {  	(tag) =	ssettag $0x2  }
0xab: {  	s0 =	rddreg [dreg:$0x0];
	s2 =	stileid.u32  }
0xac: {  	s1 =	rddreg [dreg:$0x1];
	p0 =	sne.s32 s2, $0x0  }
0xad: {  	s3 =	rddreg [dreg:$0x2];
	[bflag:$0x3] =	sbarrier.arrive $0xFFFF;
	s2 =	simm.s32 @!p0 $0x1C01  }
0xae: {  	[timem:s3], [sflag:s2] =	dma.local @!p0 [hbm:s0], s1  }
0xaf: {  	s0 =	simm.s32 @!p0 $0x1  }
0xb0: {  	_ =	swait.ge @!p0 [sflag:s0], s1  }
0xb1: {  	s1 =	ssub.s32 @!p0 $0x0, s1;
	[sflag:s0] =	ssyncset.done @!p0 $0x0  }
0xb2: {  	[sflag:s0] =	ssyncadd.s32 @!p0 s1  }
0xb3: {  	[bflag:$0x3] =	sbarrier.arrive $0xFFFF  }
0xb4: {  	_ =	shalt  }

</sc_bundles>
